<compile_context>
chip_gen: v7x
topology: tpu7x:2x2x1
jax: 0.10.2.dev20260603
libtpu: 0.0.44.dev20260713+nightly
codegen_flags: <defaults>
</compile_context>

<pallas_src>
import functools

import jax
import jax.numpy as jnp
from jax import lax
from jax.experimental import pallas as pl
from jax.experimental.pallas import tpu as pltpu
from jax.experimental.pallas import tpu_sc as plsc

_KS = 8192
_KC = 512
_HD = 128
_EMB = 256
_NT = 16 * 32 * 32
_BT = 512
_GRID = _NT // _BT
_COMMIT = 0.25

_NC = 2
_NS = 16
_NW = _NC * _NS
_BPW = _NT // _NW
_CH = 128
_NCH = _BPW // _CH


def _argmin_body(x_ref, wst_ref, wct_ref, idxs_ref, idxc_ref):
    xs = x_ref[:, :_HD]
    xc = x_ref[:, _HD:]
    wst = wst_ref[...]
    wct = wct_ref[...]
    xxs = jnp.sum(xs ** 2, axis=1, keepdims=True)
    xxc = jnp.sum(xc ** 2, axis=1, keepdims=True)
    wws = jnp.sum(wst ** 2, axis=0, keepdims=True)
    wwc = jnp.sum(wct ** 2, axis=0, keepdims=True)
    mms = lax.dot_general(-2.0 * xs, wst, (((1,), (0,)), ((), ())),
                          preferred_element_type=jnp.float32)
    mmc = lax.dot_general(-2.0 * xc, wct, (((1,), (0,)), ((), ())),
                          preferred_element_type=jnp.float32)
    ds = (xxs + wws) + mms
    dc = (xxc + wwc) + mmc
    iota_s = lax.broadcasted_iota(jnp.int32, (_BT, _KS), 1).astype(jnp.float32)
    iota_c = lax.broadcasted_iota(jnp.int32, (_BT, _KC), 1).astype(jnp.float32)
    min_s = jnp.min(ds, axis=1, keepdims=True)
    min_c = jnp.min(dc, axis=1, keepdims=True)
    idxs_ref[...] = jnp.min(jnp.where(ds == min_s, iota_s, jnp.float32(_KS)),
                            axis=1).astype(jnp.int32)
    idxc_ref[...] = jnp.min(jnp.where(dc == min_c, iota_c, jnp.float32(_KC)),
                            axis=1).astype(jnp.int32)


def _argmin_call(x, wst, wct):
    return pl.pallas_call(
        _argmin_body,
        grid=(_GRID,),
        in_specs=[
            pl.BlockSpec((_BT, _EMB), lambda i: (i, 0)),
            pl.BlockSpec((_HD, _KS), lambda i: (0, 0)),
            pl.BlockSpec((_HD, _KC), lambda i: (0, 0)),
        ],
        out_specs=[
            pl.BlockSpec((_BT,), lambda i: (i,)),
            pl.BlockSpec((_BT,), lambda i: (i,)),
        ],
        out_shape=[
            jax.ShapeDtypeStruct((_NT,), jnp.int32),
            jax.ShapeDtypeStruct((_NT,), jnp.int32),
        ],
        compiler_params=pltpu.CompilerParams(
            dimension_semantics=("arbitrary",)),
    )(x, wst, wct)


def _sc_body(ws_hbm, wc_hbm, idxs_hbm, idxc_hbm,
             qs_hbm, qc_hbm, cs_hbm, cc_hbm,
             idx_v, rows_v, ones_v, zeros_v, hs_sh, hc_sh, sem):
    c = lax.axis_index("c")
    s = lax.axis_index("s")
    wid = s * _NC + c
    base = wid * _BPW

    for k in range(_CH // 16):
        ones_v[pl.ds(k * 16, 16)] = jnp.full((16,), 1.0, jnp.float32)
    for k in range(_BPW // 16):
        zeros_v[pl.ds(k * 16, 16)] = jnp.zeros((16,), jnp.float32)

    pltpu.sync_copy(zeros_v.at[pl.ds(0, _KS // _NS)],
                    hs_sh.at[pl.ds(s * (_KS // _NS), _KS // _NS)])
    pltpu.sync_copy(zeros_v.at[pl.ds(0, _KC // _NS)],
                    hc_sh.at[pl.ds(s * (_KC // _NS), _KC // _NS)])
    plsc.subcore_barrier()

    pltpu.sync_copy(idxs_hbm.at[pl.ds(wid * _NCH, _NCH)], idx_v)
    copies = [pltpu.async_copy(ws_hbm.at[idx_v.at[j]],
                               rows_v.at[pl.ds(j * _CH, _CH)], sem)
              for j in range(_NCH)]
    for j in range(_NCH):
        pltpu.sync_copy(ones_v, hs_sh.at[idx_v.at[j]], add=True)
    for cp in copies:
        cp.wait()
    pltpu.sync_copy(rows_v, qs_hbm.at[pl.ds(base, _BPW)])

    pltpu.sync_copy(idxc_hbm.at[pl.ds(wid * _NCH, _NCH)], idx_v)
    copies = [pltpu.async_copy(wc_hbm.at[idx_v.at[j]],
                               rows_v.at[pl.ds(j * _CH, _CH)], sem)
              for j in range(_NCH)]
    for j in range(_NCH):
        pltpu.sync_copy(ones_v, hc_sh.at[idx_v.at[j]], add=True)
    for cp in copies:
        cp.wait()
    pltpu.sync_copy(rows_v, qc_hbm.at[pl.ds(base, _BPW)])

    plsc.subcore_barrier()

    pltpu.sync_copy(hs_sh.at[pl.ds(s * (_KS // _NS), _KS // _NS)], zeros_v)
    pltpu.sync_copy(zeros_v, cs_hbm.at[c, pl.ds(s * (_KS // _NS), _KS // _NS)])
    pltpu.sync_copy(hc_sh.at[pl.ds(s * (_KC // _NS), _KC // _NS)],
                    zeros_v.at[pl.ds(0, _KC // _NS)])
    pltpu.sync_copy(zeros_v.at[pl.ds(0, _KC // _NS)],
                    cc_hbm.at[c, pl.ds(s * (_KC // _NS), _KC // _NS)])


def _sc_call(w_shape, w_color, idx_s, idx_c):
    mesh = plsc.VectorSubcoreMesh(core_axis_name="c", subcore_axis_name="s")
    k = functools.partial(
        pl.kernel,
        mesh=mesh,
        out_type=[
            jax.ShapeDtypeStruct((_NT, _HD), jnp.float32),
            jax.ShapeDtypeStruct((_NT, _HD), jnp.float32),
            jax.ShapeDtypeStruct((_NC, _KS), jnp.float32),
            jax.ShapeDtypeStruct((_NC, _KC), jnp.float32),
        ],
        scratch_types=[
            pltpu.VMEM((_NCH, _CH), jnp.int32),
            pltpu.VMEM((_BPW, _HD), jnp.float32),
            pltpu.VMEM((_CH,), jnp.float32),
            pltpu.VMEM((_BPW,), jnp.float32),
            pltpu.VMEM_SHARED((_KS,), jnp.float32),
            pltpu.VMEM_SHARED((_KC,), jnp.float32),
            pltpu.SemaphoreType.DMA,
        ],
    )(_sc_body)
    idx_s2 = idx_s.reshape(_NW * _NCH, _CH)
    idx_c2 = idx_c.reshape(_NW * _NCH, _CH)
    return k(w_shape, w_color, idx_s2, idx_c2)


def _finalize_body(x_ref, qs_ref, qc_ref, cs_ref, cc_ref,
                   out_ref, loss_ref, ps_ref, pc_ref, acc_ref):
    i = pl.program_id(0)
    fs = x_ref[:, :_HD]
    fc = x_ref[:, _HD:]
    qs = qs_ref[...]
    qc = qc_ref[...]
    out_ref[...] = jnp.concatenate([fs + (qs - fs), fc + (qc - fc)], axis=1)
    part = jnp.sum((qs - fs) ** 2) + jnp.sum((qc - fc) ** 2)

    @pl.when(i == 0)
    def _():
        acc_ref[0] = part

    @pl.when(i > 0)
    def _():
        acc_ref[0] = acc_ref[0] + part

    @pl.when(i == _GRID - 1)
    def _():
        mean_sq = acc_ref[0] / (_NT * _EMB)
        loss_ref[...] = jnp.reshape(mean_sq + _COMMIT * mean_sq, (1, 1))
        cs = cs_ref[...]
        cc = cc_ref[...]
        p_s = (cs[0:1, :] + cs[1:2, :]) / _NT
        p_c = (cc[0:1, :] + cc[1:2, :]) / _NT
        ps_ref[...] = jnp.exp(-jnp.sum(p_s * jnp.log(p_s + 1e-10),
                                       axis=1, keepdims=True))
        pc_ref[...] = jnp.exp(-jnp.sum(p_c * jnp.log(p_c + 1e-10),
                                       axis=1, keepdims=True))


def _finalize_call(x, qs, qc, cs, cc):
    return pl.pallas_call(
        _finalize_body,
        grid=(_GRID,),
        in_specs=[
            pl.BlockSpec((_BT, _EMB), lambda i: (i, 0)),
            pl.BlockSpec((_BT, _HD), lambda i: (i, 0)),
            pl.BlockSpec((_BT, _HD), lambda i: (i, 0)),
            pl.BlockSpec((_NC, _KS), lambda i: (0, 0)),
            pl.BlockSpec((_NC, _KC), lambda i: (0, 0)),
        ],
        out_specs=[
            pl.BlockSpec((_BT, _EMB), lambda i: (i, 0)),
            pl.BlockSpec((1, 1), lambda i: (0, 0)),
            pl.BlockSpec((1, 1), lambda i: (0, 0)),
            pl.BlockSpec((1, 1), lambda i: (0, 0)),
        ],
        out_shape=[
            jax.ShapeDtypeStruct((_NT, _EMB), jnp.float32),
            jax.ShapeDtypeStruct((1, 1), jnp.float32),
            jax.ShapeDtypeStruct((1, 1), jnp.float32),
            jax.ShapeDtypeStruct((1, 1), jnp.float32),
        ],
        scratch_shapes=[pltpu.SMEM((1,), jnp.float32)],
        compiler_params=pltpu.CompilerParams(
            dimension_semantics=("arbitrary",)),
    )(x, qs, qc, cs, cc)


def kernel(inputs, w_shape, w_color):
    x = jnp.transpose(inputs, (0, 2, 3, 1)).reshape(_NT, _EMB)
    idx_s, idx_c = _argmin_call(x, w_shape.T, w_color.T)
    qs, qc, cs, cc = _sc_call(w_shape, w_color, idx_s, idx_c)
    out, loss, ps, pc = _finalize_call(x, qs, qc, cs, cc)
    quantized = out.reshape(16, 32, 32, _EMB).transpose(0, 3, 1, 2)
    return (quantized, loss.reshape(()), ps.reshape(()), pc.reshape(()))

# --- scband reference (transcript-rebuilt; emitter-appended) ---
"""Pipeline reference for scband-factorized-vector-quantizer-38113539784837 (READ-ONLY COPY).

The authoritative reference and input builder live on the scoring server;
editing this copy changes nothing except your own understanding.
"""

import jax, jax.numpy as jnp
import numpy as np

NUM_SHAPE_CODES = 8192
NUM_COLOR_CODES = 512
EMBEDDING_DIM = 256
HALF_DIM = EMBEDDING_DIM // 2
COMMITMENT_COST = 0.25


def setup_inputs(seed: int = 0) -> dict:
    key = jax.random.key(seed)
    k1, k2, k3 = jax.random.split(key, 3)
    inputs = jax.random.normal(k1, (16, EMBEDDING_DIM, 32, 32), dtype=jnp.float32)
    w_shape = jax.random.uniform(k2, (NUM_SHAPE_CODES, HALF_DIM), dtype=jnp.float32,
                                 minval=-1.0 / NUM_SHAPE_CODES, maxval=1.0 / NUM_SHAPE_CODES)
    w_color = jax.random.uniform(k3, (NUM_COLOR_CODES, HALF_DIM), dtype=jnp.float32,
                                 minval=-1.0 / NUM_COLOR_CODES, maxval=1.0 / NUM_COLOR_CODES)
    return {"inputs": inputs, "w_shape": w_shape, "w_color": w_color}


def _quantize(flat_input, weight, num_codes):
    distances = (jnp.sum(flat_input ** 2, axis=1, keepdims=True)
                 + jnp.sum(weight ** 2, axis=1)
                 - 2.0 * jnp.matmul(flat_input, weight.T))
    encoding_indices = jnp.argmin(distances, axis=1)
    encodings = jax.nn.one_hot(encoding_indices, num_codes, dtype=flat_input.dtype)
    quantized = jnp.matmul(encodings, weight)
    avg_probs = jnp.mean(encodings, axis=0)
    perplexity = jnp.exp(-jnp.sum(avg_probs * jnp.log(avg_probs + 1e-10)))
    return quantized, perplexity


def reference(inputs, w_shape, w_color):
    is_spatial = inputs.ndim == 4
    if is_spatial:
        inputs_perm = jnp.transpose(inputs, (0, 2, 3, 1))
    else:
        inputs_perm = inputs
    flat_input = inputs_perm.reshape(-1, EMBEDDING_DIM)
    flat_shape = flat_input[:, :HALF_DIM]
    flat_color = flat_input[:, HALF_DIM:]
    quantized_shape, perp_shape = _quantize(flat_shape, w_shape, NUM_SHAPE_CODES)
    quantized_color, perp_color = _quantize(flat_color, w_color, NUM_COLOR_CODES)
    quantized_flat = jnp.concatenate([quantized_shape, quantized_color], axis=1)
    e_latent_loss = jnp.mean((jax.lax.stop_gradient(quantized_flat) - flat_input) ** 2)
    q_latent_loss = jnp.mean((quantized_flat - jax.lax.stop_gradient(flat_input)) ** 2)
    loss = q_latent_loss + COMMITMENT_COST * e_latent_loss
    quantized_flat = flat_input + jax.lax.stop_gradient(quantized_flat - flat_input)
    quantized = quantized_flat.reshape(inputs_perm.shape)
    if is_spatial:
        quantized = jnp.transpose(quantized, (0, 3, 1, 2))
    return (quantized, loss, perp_shape, perp_color)

if __name__ == "__main__":
    import jax
    _d = setup_inputs()
    print(jax.jit(kernel)(*tuple(_d.values())))

</pallas_src>

<mosaic_0001>
#map = affine_map<(d0, d1) -> (0, 0)>
module attributes {stable_mosaic.version = 14 : i64} {
  func.func @_sc_body(%arg0: i32, %arg1: i32, %arg2: memref<8192x128xf32, #tpu.memory_space<hbm>>, %arg3: memref<512x128xf32, #tpu.memory_space<hbm>>, %arg4: memref<128x128xi32, #tpu.memory_space<hbm>>, %arg5: memref<128x128xi32, #tpu.memory_space<hbm>>, %arg6: memref<16384x128xf32, #tpu.memory_space<hbm>>, %arg7: memref<16384x128xf32, #tpu.memory_space<hbm>>, %arg8: memref<2x8192xf32, #tpu.memory_space<hbm>>, %arg9: memref<2x512xf32, #tpu.memory_space<hbm>>, %arg10: memref<4x128xi32, #tpu.memory_space<vmem>>, %arg11: memref<512x128xf32, #tpu.memory_space<vmem>>, %arg12: memref<128xf32, #tpu.memory_space<vmem>>, %arg13: memref<512xf32, #tpu.memory_space<vmem>>, %arg14: memref<8192xf32, #tpu.memory_space<vmem_shared>>, %arg15: memref<512xf32, #tpu.memory_space<vmem_shared>>, %arg16: memref<!tpu.dma_semaphore, #tpu.memory_space<semaphore_mem>>) attributes {dimension_semantics = [#tpu.dimension_semantics<core_parallel>, #tpu.dimension_semantics<subcore_parallel>], iteration_bounds = array<i64: 2, 16>, scalar_prefetch = 0 : i64, scratch_operands = 7 : i64, tpu.core_type = #tpu.core_type<sc_vector_subcore>, window_params = [{transform_indices = #map}, {transform_indices = #map}, {transform_indices = #map}, {transform_indices = #map}, {transform_indices = #map}, {transform_indices = #map}, {transform_indices = #map}, {transform_indices = #map}]} {
    %mul3A = arith.constant 2 : i32
    %mul3A_0 = arith.muli %arg1, %mul3A : i32
    %add3A = arith.addi %mul3A_0, %arg0 : i32
    %mul3A_1 = arith.constant 512 : i32
    %mul3A_2 = arith.muli %add3A, %mul3A_1 : i32
    %broadcast_in_dim3A = arith.constant 1.000000e+00 : f32
    %broadcast_in_dim3A_3 = vector.broadcast %broadcast_in_dim3A : f32 to vector<16xf32>
    %swap3A = arith.constant 0 : index
    %swap3A_4 = tpu.vector_load %arg12[%swap3A] {strides = array<i32>} : memref<128xf32, #tpu.memory_space<vmem>>, vector<16xf32>,
    %swap3A_5 = vector.shape_cast %swap3A_4 : vector<16xf32> to vector<16xf32>
    %swap3A_6 = vector.shape_cast %broadcast_in_dim3A_3 : vector<16xf32> to vector<16xf32>
    tpu.vector_store %arg12[%swap3A], %swap3A_6 {strides = array<i32>} : memref<128xf32, #tpu.memory_space<vmem>>, vector<16xf32>,
    %broadcast_in_dim3A_7 = arith.constant 1.000000e+00 : f32
    %broadcast_in_dim3A_8 = vector.broadcast %broadcast_in_dim3A_7 : f32 to vector<16xf32>
    %swap3A_9 = arith.constant 16 : index
    %swap3A_10 = tpu.vector_load %arg12[%swap3A_9] {strides = array<i32>} : memref<128xf32, #tpu.memory_space<vmem>>, vector<16xf32>,
    %swap3A_11 = vector.shape_cast %swap3A_10 : vector<16xf32> to vector<16xf32>
    %swap3A_12 = vector.shape_cast %broadcast_in_dim3A_8 : vector<16xf32> to vector<16xf32>
    tpu.vector_store %arg12[%swap3A_9], %swap3A_12 {strides = array<i32>} : memref<128xf32, #tpu.memory_space<vmem>>, vector<16xf32>,
    %broadcast_in_dim3A_13 = arith.constant 1.000000e+00 : f32
    %broadcast_in_dim3A_14 = vector.broadcast %broadcast_in_dim3A_13 : f32 to vector<16xf32>
    %swap3A_15 = arith.constant 32 : index
    %swap3A_16 = tpu.vector_load %arg12[%swap3A_15] {strides = array<i32>} : memref<128xf32, #tpu.memory_space<vmem>>, vector<16xf32>,
    %swap3A_17 = vector.shape_cast %swap3A_16 : vector<16xf32> to vector<16xf32>
    %swap3A_18 = vector.shape_cast %broadcast_in_dim3A_14 : vector<16xf32> to vector<16xf32>
    tpu.vector_store %arg12[%swap3A_15], %swap3A_18 {strides = array<i32>} : memref<128xf32, #tpu.memory_space<vmem>>, vector<16xf32>,
    %broadcast_in_dim3A_19 = arith.constant 1.000000e+00 : f32
    %broadcast_in_dim3A_20 = vector.broadcast %broadcast_in_dim3A_19 : f32 to vector<16xf32>
    %swap3A_21 = arith.constant 48 : index
    %swap3A_22 = tpu.vector_load %arg12[%swap3A_21] {strides = array<i32>} : memref<128xf32, #tpu.memory_space<vmem>>, vector<16xf32>,
    %swap3A_23 = vector.shape_cast %swap3A_22 : vector<16xf32> to vector<16xf32>
    %swap3A_24 = vector.shape_cast %broadcast_in_dim3A_20 : vector<16xf32> to vector<16xf32>
    tpu.vector_store %arg12[%swap3A_21], %swap3A_24 {strides = array<i32>} : memref<128xf32, #tpu.memory_space<vmem>>, vector<16xf32>,
    %broadcast_in_dim3A_25 = arith.constant 1.000000e+00 : f32
    %broadcast_in_dim3A_26 = vector.broadcast %broadcast_in_dim3A_25 : f32 to vector<16xf32>
    %swap3A_27 = arith.constant 64 : index
    %swap3A_28 = tpu.vector_load %arg12[%swap3A_27] {strides = array<i32>} : memref<128xf32, #tpu.memory_space<vmem>>, vector<16xf32>,
    %swap3A_29 = vector.shape_cast %swap3A_28 : vector<16xf32> to vector<16xf32>
    %swap3A_30 = vector.shape_cast %broadcast_in_dim3A_26 : vector<16xf32> to vector<16xf32>
    tpu.vector_store %arg12[%swap3A_27], %swap3A_30 {strides = array<i32>} : memref<128xf32, #tpu.memory_space<vmem>>, vector<16xf32>,
    %broadcast_in_dim3A_31 = arith.constant 1.000000e+00 : f32
    %broadcast_in_dim3A_32 = vector.broadcast %broadcast_in_dim3A_31 : f32 to vector<16xf32>
    %swap3A_33 = arith.constant 80 : index
    %swap3A_34 = tpu.vector_load %arg12[%swap3A_33] {strides = array<i32>} : memref<128xf32, #tpu.memory_space<vmem>>, vector<16xf32>,
    %swap3A_35 = vector.shape_cast %swap3A_34 : vector<16xf32> to vector<16xf32>
    %swap3A_36 = vector.shape_cast %broadcast_in_dim3A_32 : vector<16xf32> to vector<16xf32>
    tpu.vector_store %arg12[%swap3A_33], %swap3A_36 {strides = array<i32>} : memref<128xf32, #tpu.memory_space<vmem>>, vector<16xf32>,
    %broadcast_in_dim3A_37 = arith.constant 1.000000e+00 : f32
    %broadcast_in_dim3A_38 = vector.broadcast %broadcast_in_dim3A_37 : f32 to vector<16xf32>
    %swap3A_39 = arith.constant 96 : index
    %swap3A_40 = tpu.vector_load %arg12[%swap3A_39] {strides = array<i32>} : memref<128xf32, #tpu.memory_space<vmem>>, vector<16xf32>,
    %swap3A_41 = vector.shape_cast %swap3A_40 : vector<16xf32> to vector<16xf32>
    %swap3A_42 = vector.shape_cast %broadcast_in_dim3A_38 : vector<16xf32> to vector<16xf32>
    tpu.vector_store %arg12[%swap3A_39], %swap3A_42 {strides = array<i32>} : memref<128xf32, #tpu.memory_space<vmem>>, vector<16xf32>,
    %broadcast_in_dim3A_43 = arith.constant 1.000000e+00 : f32
    %broadcast_in_dim3A_44 = vector.broadcast %broadcast_in_dim3A_43 : f32 to vector<16xf32>
    %swap3A_45 = arith.constant 112 : index
    %swap3A_46 = tpu.vector_load %arg12[%swap3A_45] {strides = array<i32>} : memref<128xf32, #tpu.memory_space<vmem>>, vector<16xf32>,
    %swap3A_47 = vector.shape_cast %swap3A_46 : vector<16xf32> to vector<16xf32>
    %swap3A_48 = vector.shape_cast %broadcast_in_dim3A_44 : vector<16xf32> to vector<16xf32>
    tpu.vector_store %arg12[%swap3A_45], %swap3A_48 {strides = array<i32>} : memref<128xf32, #tpu.memory_space<vmem>>, vector<16xf32>,
    %broadcast_in_dim3A_49 = arith.constant 0.000000e+00 : f32
    %broadcast_in_dim3A_50 = vector.broadcast %broadcast_in_dim3A_49 : f32 to vector<16xf32>
    %swap3A_51 = arith.constant 0 : index
    %swap3A_52 = tpu.vector_load %arg13[%swap3A_51] {strides = array<i32>} : memref<512xf32, #tpu.memory_space<vmem>>, vector<16xf32>,
    %swap3A_53 = vector.shape_cast %swap3A_52 : vector<16xf32> to vector<16xf32>
    %swap3A_54 = vector.shape_cast %broadcast_in_dim3A_50 : vector<16xf32> to vector<16xf32>
    tpu.vector_store %arg13[%swap3A_51], %swap3A_54 {strides = array<i32>} : memref<512xf32, #tpu.memory_space<vmem>>, vector<16xf32>,
    %broadcast_in_dim3A_55 = arith.constant 0.000000e+00 : f32
    %broadcast_in_dim3A_56 = vector.broadcast %broadcast_in_dim3A_55 : f32 to vector<16xf32>
    %swap3A_57 = arith.constant 16 : index
    %swap3A_58 = tpu.vector_load %arg13[%swap3A_57] {strides = array<i32>} : memref<512xf32, #tpu.memory_space<vmem>>, vector<16xf32>,
    %swap3A_59 = vector.shape_cast %swap3A_58 : vector<16xf32> to vector<16xf32>
    %swap3A_60 = vector.shape_cast %broadcast_in_dim3A_56 : vector<16xf32> to vector<16xf32>
    tpu.vector_store %arg13[%swap3A_57], %swap3A_60 {strides = array<i32>} : memref<512xf32, #tpu.memory_space<vmem>>, vector<16xf32>,
    %broadcast_in_dim3A_61 = arith.constant 0.000000e+00 : f32
    %broadcast_in_dim3A_62 = vector.broadcast %broadcast_in_dim3A_61 : f32 to vector<16xf32>
    %swap3A_63 = arith.constant 32 : index
    %swap3A_64 = tpu.vector_load %arg13[%swap3A_63] {strides = array<i32>} : memref<512xf32, #tpu.memory_space<vmem>>, vector<16xf32>,
    %swap3A_65 = vector.shape_cast %swap3A_64 : vector<16xf32> to vector<16xf32>
    %swap3A_66 = vector.shape_cast %broadcast_in_dim3A_62 : vector<16xf32> to vector<16xf32>
    tpu.vector_store %arg13[%swap3A_63], %swap3A_66 {strides = array<i32>} : memref<512xf32, #tpu.memory_space<vmem>>, vector<16xf32>,
    %broadcast_in_dim3A_67 = arith.constant 0.000000e+00 : f32
    %broadcast_in_dim3A_68 = vector.broadcast %broadcast_in_dim3A_67 : f32 to vector<16xf32>
    %swap3A_69 = arith.constant 48 : index
    %swap3A_70 = tpu.vector_load %arg13[%swap3A_69] {strides = array<i32>} : memref<512xf32, #tpu.memory_space<vmem>>, vector<16xf32>,
    %swap3A_71 = vector.shape_cast %swap3A_70 : vector<16xf32> to vector<16xf32>
    %swap3A_72 = vector.shape_cast %broadcast_in_dim3A_68 : vector<16xf32> to vector<16xf32>
    tpu.vector_store %arg13[%swap3A_69], %swap3A_72 {strides = array<i32>} : memref<512xf32, #tpu.memory_space<vmem>>, vector<16xf32>,
    %broadcast_in_dim3A_73 = arith.constant 0.000000e+00 : f32
    %broadcast_in_dim3A_74 = vector.broadcast %broadcast_in_dim3A_73 : f32 to vector<16xf32>
    %swap3A_75 = arith.constant 64 : index
    %swap3A_76 = tpu.vector_load %arg13[%swap3A_75] {strides = array<i32>} : memref<512xf32, #tpu.memory_space<vmem>>, vector<16xf32>,
    %swap3A_77 = vector.shape_cast %swap3A_76 : vector<16xf32> to vector<16xf32>
    %swap3A_78 = vector.shape_cast %broadcast_in_dim3A_74 : vector<16xf32> to vector<16xf32>
    tpu.vector_store %arg13[%swap3A_75], %swap3A_78 {strides = array<i32>} : memref<512xf32, #tpu.memory_space<vmem>>, vector<16xf32>,
    %broadcast_in_dim3A_79 = arith.constant 0.000000e+00 : f32
    %broadcast_in_dim3A_80 = vector.broadcast %broadcast_in_dim3A_79 : f32 to vector<16xf32>
    %swap3A_81 = arith.constant 80 : index
    %swap3A_82 = tpu.vector_load %arg13[%swap3A_81] {strides = array<i32>} : memref<512xf32, #tpu.memory_space<vmem>>, vector<16xf32>,
    %swap3A_83 = vector.shape_cast %swap3A_82 : vector<16xf32> to vector<16xf32>
    %swap3A_84 = vector.shape_cast %broadcast_in_dim3A_80 : vector<16xf32> to vector<16xf32>
    tpu.vector_store %arg13[%swap3A_81], %swap3A_84 {strides = array<i32>} : memref<512xf32, #tpu.memory_space<vmem>>, vector<16xf32>,
    %broadcast_in_dim3A_85 = arith.constant 0.000000e+00 : f32
    %broadcast_in_dim3A_86 = vector.broadcast %broadcast_in_dim3A_85 : f32 to vector<16xf32>
    %swap3A_87 = arith.constant 96 : index
    %swap3A_88 = tpu.vector_load %arg13[%swap3A_87] {strides = array<i32>} : memref<512xf32, #tpu.memory_space<vmem>>, vector<16xf32>,
    %swap3A_89 = vector.shape_cast %swap3A_88 : vector<16xf32> to vector<16xf32>
    %swap3A_90 = vector.shape_cast %broadcast_in_dim3A_86 : vector<16xf32> to vector<16xf32>
    tpu.vector_store %arg13[%swap3A_87], %swap3A_90 {strides = array<i32>} : memref<512xf32, #tpu.memory_space<vmem>>, vector<16xf32>,
    %broadcast_in_dim3A_91 = arith.constant 0.000000e+00 : f32
    %broadcast_in_dim3A_92 = vector.broadcast %broadcast_in_dim3A_91 : f32 to vector<16xf32>
    %swap3A_93 = arith.constant 112 : index
    %swap3A_94 = tpu.vector_load %arg13[%swap3A_93] {strides = array<i32>} : memref<512xf32, #tpu.memory_space<vmem>>, vector<16xf32>,
    %swap3A_95 = vector.shape_cast %swap3A_94 : vector<16xf32> to vector<16xf32>
    %swap3A_96 = vector.shape_cast %broadcast_in_dim3A_92 : vector<16xf32> to vector<16xf32>
    tpu.vector_store %arg13[%swap3A_93], %swap3A_96 {strides = array<i32>} : memref<512xf32, #tpu.memory_space<vmem>>, vector<16xf32>,
    %broadcast_in_dim3A_97 = arith.constant 0.000000e+00 : f32
    %broadcast_in_dim3A_98 = vector.broadcast %broadcast_in_dim3A_97 : f32 to vector<16xf32>
    %swap3A_99 = arith.constant 128 : index
    %swap3A_100 = tpu.vector_load %arg13[%swap3A_99] {strides = array<i32>} : memref<512xf32, #tpu.memory_space<vmem>>, vector<16xf32>,
    %swap3A_101 = vector.shape_cast %swap3A_100 : vector<16xf32> to vector<16xf32>
    %swap3A_102 = vector.shape_cast %broadcast_in_dim3A_98 : vector<16xf32> to vector<16xf32>
    tpu.vector_store %arg13[%swap3A_99], %swap3A_102 {strides = array<i32>} : memref<512xf32, #tpu.memory_space<vmem>>, vector<16xf32>,
    %broadcast_in_dim3A_103 = arith.constant 0.000000e+00 : f32
    %broadcast_in_dim3A_104 = vector.broadcast %broadcast_in_dim3A_103 : f32 to vector<16xf32>
    %swap3A_105 = arith.constant 144 : index
    %swap3A_106 = tpu.vector_load %arg13[%swap3A_105] {strides = array<i32>} : memref<512xf32, #tpu.memory_space<vmem>>, vector<16xf32>,
    %swap3A_107 = vector.shape_cast %swap3A_106 : vector<16xf32> to vector<16xf32>
    %swap3A_108 = vector.shape_cast %broadcast_in_dim3A_104 : vector<16xf32> to vector<16xf32>
    tpu.vector_store %arg13[%swap3A_105], %swap3A_108 {strides = array<i32>} : memref<512xf32, #tpu.memory_space<vmem>>, vector<16xf32>,
    %broadcast_in_dim3A_109 = arith.constant 0.000000e+00 : f32
    %broadcast_in_dim3A_110 = vector.broadcast %broadcast_in_dim3A_109 : f32 to vector<16xf32>
    %swap3A_111 = arith.constant 160 : index
    %swap3A_112 = tpu.vector_load %arg13[%swap3A_111] {strides = array<i32>} : memref<512xf32, #tpu.memory_space<vmem>>, vector<16xf32>,
    %swap3A_113 = vector.shape_cast %swap3A_112 : vector<16xf32> to vector<16xf32>
    %swap3A_114 = vector.shape_cast %broadcast_in_dim3A_110 : vector<16xf32> to vector<16xf32>
    tpu.vector_store %arg13[%swap3A_111], %swap3A_114 {strides = array<i32>} : memref<512xf32, #tpu.memory_space<vmem>>, vector<16xf32>,
    %broadcast_in_dim3A_115 = arith.constant 0.000000e+00 : f32
    %broadcast_in_dim3A_116 = vector.broadcast %broadcast_in_dim3A_115 : f32 to vector<16xf32>
    %swap3A_117 = arith.constant 176 : index
    %swap3A_118 = tpu.vector_load %arg13[%swap3A_117] {strides = array<i32>} : memref<512xf32, #tpu.memory_space<vmem>>, vector<16xf32>,
    %swap3A_119 = vector.shape_cast %swap3A_118 : vector<16xf32> to vector<16xf32>
    %swap3A_120 = vector.shape_cast %broadcast_in_dim3A_116 : vector<16xf32> to vector<16xf32>
    tpu.vector_store %arg13[%swap3A_117], %swap3A_120 {strides = array<i32>} : memref<512xf32, #tpu.memory_space<vmem>>, vector<16xf32>,
    %broadcast_in_dim3A_121 = arith.constant 0.000000e+00 : f32
    %broadcast_in_dim3A_122 = vector.broadcast %broadcast_in_dim3A_121 : f32 to vector<16xf32>
    %swap3A_123 = arith.constant 192 : index
    %swap3A_124 = tpu.vector_load %arg13[%swap3A_123] {strides = array<i32>} : memref<512xf32, #tpu.memory_space<vmem>>, vector<16xf32>,
    %swap3A_125 = vector.shape_cast %swap3A_124 : vector<16xf32> to vector<16xf32>
    %swap3A_126 = vector.shape_cast %broadcast_in_dim3A_122 : vector<16xf32> to vector<16xf32>
    tpu.vector_store %arg13[%swap3A_123], %swap3A_126 {strides = array<i32>} : memref<512xf32, #tpu.memory_space<vmem>>, vector<16xf32>,
    %broadcast_in_dim3A_127 = arith.constant 0.000000e+00 : f32
    %broadcast_in_dim3A_128 = vector.broadcast %broadcast_in_dim3A_127 : f32 to vector<16xf32>
    %swap3A_129 = arith.constant 208 : index
    %swap3A_130 = tpu.vector_load %arg13[%swap3A_129] {strides = array<i32>} : memref<512xf32, #tpu.memory_space<vmem>>, vector<16xf32>,
    %swap3A_131 = vector.shape_cast %swap3A_130 : vector<16xf32> to vector<16xf32>
    %swap3A_132 = vector.shape_cast %broadcast_in_dim3A_128 : vector<16xf32> to vector<16xf32>
    tpu.vector_store %arg13[%swap3A_129], %swap3A_132 {strides = array<i32>} : memref<512xf32, #tpu.memory_space<vmem>>, vector<16xf32>,
    %broadcast_in_dim3A_133 = arith.constant 0.000000e+00 : f32
    %broadcast_in_dim3A_134 = vector.broadcast %broadcast_in_dim3A_133 : f32 to vector<16xf32>
    %swap3A_135 = arith.constant 224 : index
    %swap3A_136 = tpu.vector_load %arg13[%swap3A_135] {strides = array<i32>} : memref<512xf32, #tpu.memory_space<vmem>>, vector<16xf32>,
    %swap3A_137 = vector.shape_cast %swap3A_136 : vector<16xf32> to vector<16xf32>
    %swap3A_138 = vector.shape_cast %broadcast_in_dim3A_134 : vector<16xf32> to vector<16xf32>
    tpu.vector_store %arg13[%swap3A_135], %swap3A_138 {strides = array<i32>} : memref<512xf32, #tpu.memory_space<vmem>>, vector<16xf32>,
    %broadcast_in_dim3A_139 = arith.constant 0.000000e+00 : f32
    %broadcast_in_dim3A_140 = vector.broadcast %broadcast_in_dim3A_139 : f32 to vector<16xf32>
    %swap3A_141 = arith.constant 240 : index
    %swap3A_142 = tpu.vector_load %arg13[%swap3A_141] {strides = array<i32>} : memref<512xf32, #tpu.memory_space<vmem>>, vector<16xf32>,
    %swap3A_143 = vector.shape_cast %swap3A_142 : vector<16xf32> to vector<16xf32>
    %swap3A_144 = vector.shape_cast %broadcast_in_dim3A_140 : vector<16xf32> to vector<16xf32>
    tpu.vector_store %arg13[%swap3A_141], %swap3A_144 {strides = array<i32>} : memref<512xf32, #tpu.memory_space<vmem>>, vector<16xf32>,
    %broadcast_in_dim3A_145 = arith.constant 0.000000e+00 : f32
    %broadcast_in_dim3A_146 = vector.broadcast %broadcast_in_dim3A_145 : f32 to vector<16xf32>
    %swap3A_147 = arith.constant 256 : index
    %swap3A_148 = tpu.vector_load %arg13[%swap3A_147] {strides = array<i32>} : memref<512xf32, #tpu.memory_space<vmem>>, vector<16xf32>,
    %swap3A_149 = vector.shape_cast %swap3A_148 : vector<16xf32> to vector<16xf32>
    %swap3A_150 = vector.shape_cast %broadcast_in_dim3A_146 : vector<16xf32> to vector<16xf32>
    tpu.vector_store %arg13[%swap3A_147], %swap3A_150 {strides = array<i32>} : memref<512xf32, #tpu.memory_space<vmem>>, vector<16xf32>,
    %broadcast_in_dim3A_151 = arith.constant 0.000000e+00 : f32
    %broadcast_in_dim3A_152 = vector.broadcast %broadcast_in_dim3A_151 : f32 to vector<16xf32>
    %swap3A_153 = arith.constant 272 : index
    %swap3A_154 = tpu.vector_load %arg13[%swap3A_153] {strides = array<i32>} : memref<512xf32, #tpu.memory_space<vmem>>, vector<16xf32>,
    %swap3A_155 = vector.shape_cast %swap3A_154 : vector<16xf32> to vector<16xf32>
    %swap3A_156 = vector.shape_cast %broadcast_in_dim3A_152 : vector<16xf32> to vector<16xf32>
    tpu.vector_store %arg13[%swap3A_153], %swap3A_156 {strides = array<i32>} : memref<512xf32, #tpu.memory_space<vmem>>, vector<16xf32>,
    %broadcast_in_dim3A_157 = arith.constant 0.000000e+00 : f32
    %broadcast_in_dim3A_158 = vector.broadcast %broadcast_in_dim3A_157 : f32 to vector<16xf32>
    %swap3A_159 = arith.constant 288 : index
    %swap3A_160 = tpu.vector_load %arg13[%swap3A_159] {strides = array<i32>} : memref<512xf32, #tpu.memory_space<vmem>>, vector<16xf32>,
    %swap3A_161 = vector.shape_cast %swap3A_160 : vector<16xf32> to vector<16xf32>
    %swap3A_162 = vector.shape_cast %broadcast_in_dim3A_158 : vector<16xf32> to vector<16xf32>
    tpu.vector_store %arg13[%swap3A_159], %swap3A_162 {strides = array<i32>} : memref<512xf32, #tpu.memory_space<vmem>>, vector<16xf32>,
    %broadcast_in_dim3A_163 = arith.constant 0.000000e+00 : f32
    %broadcast_in_dim3A_164 = vector.broadcast %broadcast_in_dim3A_163 : f32 to vector<16xf32>
    %swap3A_165 = arith.constant 304 : index
    %swap3A_166 = tpu.vector_load %arg13[%swap3A_165] {strides = array<i32>} : memref<512xf32, #tpu.memory_space<vmem>>, vector<16xf32>,
    %swap3A_167 = vector.shape_cast %swap3A_166 : vector<16xf32> to vector<16xf32>
    %swap3A_168 = vector.shape_cast %broadcast_in_dim3A_164 : vector<16xf32> to vector<16xf32>
    tpu.vector_store %arg13[%swap3A_165], %swap3A_168 {strides = array<i32>} : memref<512xf32, #tpu.memory_space<vmem>>, vector<16xf32>,
    %broadcast_in_dim3A_169 = arith.constant 0.000000e+00 : f32
    %broadcast_in_dim3A_170 = vector.broadcast %broadcast_in_dim3A_169 : f32 to vector<16xf32>
    %swap3A_171 = arith.constant 320 : index
    %swap3A_172 = tpu.vector_load %arg13[%swap3A_171] {strides = array<i32>} : memref<512xf32, #tpu.memory_space<vmem>>, vector<16xf32>,
    %swap3A_173 = vector.shape_cast %swap3A_172 : vector<16xf32> to vector<16xf32>
    %swap3A_174 = vector.shape_cast %broadcast_in_dim3A_170 : vector<16xf32> to vector<16xf32>
    tpu.vector_store %arg13[%swap3A_171], %swap3A_174 {strides = array<i32>} : memref<512xf32, #tpu.memory_space<vmem>>, vector<16xf32>,
    %broadcast_in_dim3A_175 = arith.constant 0.000000e+00 : f32
    %broadcast_in_dim3A_176 = vector.broadcast %broadcast_in_dim3A_175 : f32 to vector<16xf32>
    %swap3A_177 = arith.constant 336 : index
    %swap3A_178 = tpu.vector_load %arg13[%swap3A_177] {strides = array<i32>} : memref<512xf32, #tpu.memory_space<vmem>>, vector<16xf32>,
    %swap3A_179 = vector.shape_cast %swap3A_178 : vector<16xf32> to vector<16xf32>
    %swap3A_180 = vector.shape_cast %broadcast_in_dim3A_176 : vector<16xf32> to vector<16xf32>
    tpu.vector_store %arg13[%swap3A_177], %swap3A_180 {strides = array<i32>} : memref<512xf32, #tpu.memory_space<vmem>>, vector<16xf32>,
    %broadcast_in_dim3A_181 = arith.constant 0.000000e+00 : f32
    %broadcast_in_dim3A_182 = vector.broadcast %broadcast_in_dim3A_181 : f32 to vector<16xf32>
    %swap3A_183 = arith.constant 352 : index
    %swap3A_184 = tpu.vector_load %arg13[%swap3A_183] {strides = array<i32>} : memref<512xf32, #tpu.memory_space<vmem>>, vector<16xf32>,
    %swap3A_185 = vector.shape_cast %swap3A_184 : vector<16xf32> to vector<16xf32>
    %swap3A_186 = vector.shape_cast %broadcast_in_dim3A_182 : vector<16xf32> to vector<16xf32>
    tpu.vector_store %arg13[%swap3A_183], %swap3A_186 {strides = array<i32>} : memref<512xf32, #tpu.memory_space<vmem>>, vector<16xf32>,
    %broadcast_in_dim3A_187 = arith.constant 0.000000e+00 : f32
    %broadcast_in_dim3A_188 = vector.broadcast %broadcast_in_dim3A_187 : f32 to vector<16xf32>
    %swap3A_189 = arith.constant 368 : index
    %swap3A_190 = tpu.vector_load %arg13[%swap3A_189] {strides = array<i32>} : memref<512xf32, #tpu.memory_space<vmem>>, vector<16xf32>,
    %swap3A_191 = vector.shape_cast %swap3A_190 : vector<16xf32> to vector<16xf32>
    %swap3A_192 = vector.shape_cast %broadcast_in_dim3A_188 : vector<16xf32> to vector<16xf32>
    tpu.vector_store %arg13[%swap3A_189], %swap3A_192 {strides = array<i32>} : memref<512xf32, #tpu.memory_space<vmem>>, vector<16xf32>,
    %broadcast_in_dim3A_193 = arith.constant 0.000000e+00 : f32
    %broadcast_in_dim3A_194 = vector.broadcast %broadcast_in_dim3A_193 : f32 to vector<16xf32>
    %swap3A_195 = arith.constant 384 : index
    %swap3A_196 = tpu.vector_load %arg13[%swap3A_195] {strides = array<i32>} : memref<512xf32, #tpu.memory_space<vmem>>, vector<16xf32>,
    %swap3A_197 = vector.shape_cast %swap3A_196 : vector<16xf32> to vector<16xf32>
    %swap3A_198 = vector.shape_cast %broadcast_in_dim3A_194 : vector<16xf32> to vector<16xf32>
    tpu.vector_store %arg13[%swap3A_195], %swap3A_198 {strides = array<i32>} : memref<512xf32, #tpu.memory_space<vmem>>, vector<16xf32>,
    %broadcast_in_dim3A_199 = arith.constant 0.000000e+00 : f32
    %broadcast_in_dim3A_200 = vector.broadcast %broadcast_in_dim3A_199 : f32 to vector<16xf32>
    %swap3A_201 = arith.constant 400 : index
    %swap3A_202 = tpu.vector_load %arg13[%swap3A_201] {strides = array<i32>} : memref<512xf32, #tpu.memory_space<vmem>>, vector<16xf32>,
    %swap3A_203 = vector.shape_cast %swap3A_202 : vector<16xf32> to vector<16xf32>
    %swap3A_204 = vector.shape_cast %broadcast_in_dim3A_200 : vector<16xf32> to vector<16xf32>
    tpu.vector_store %arg13[%swap3A_201], %swap3A_204 {strides = array<i32>} : memref<512xf32, #tpu.memory_space<vmem>>, vector<16xf32>,
    %broadcast_in_dim3A_205 = arith.constant 0.000000e+00 : f32
    %broadcast_in_dim3A_206 = vector.broadcast %broadcast_in_dim3A_205 : f32 to vector<16xf32>
    %swap3A_207 = arith.constant 416 : index
    %swap3A_208 = tpu.vector_load %arg13[%swap3A_207] {strides = array<i32>} : memref<512xf32, #tpu.memory_space<vmem>>, vector<16xf32>,
    %swap3A_209 = vector.shape_cast %swap3A_208 : vector<16xf32> to vector<16xf32>
    %swap3A_210 = vector.shape_cast %broadcast_in_dim3A_206 : vector<16xf32> to vector<16xf32>
    tpu.vector_store %arg13[%swap3A_207], %swap3A_210 {strides = array<i32>} : memref<512xf32, #tpu.memory_space<vmem>>, vector<16xf32>,
    %broadcast_in_dim3A_211 = arith.constant 0.000000e+00 : f32
    %broadcast_in_dim3A_212 = vector.broadcast %broadcast_in_dim3A_211 : f32 to vector<16xf32>
    %swap3A_213 = arith.constant 432 : index
    %swap3A_214 = tpu.vector_load %arg13[%swap3A_213] {strides = array<i32>} : memref<512xf32, #tpu.memory_space<vmem>>, vector<16xf32>,
    %swap3A_215 = vector.shape_cast %swap3A_214 : vector<16xf32> to vector<16xf32>
    %swap3A_216 = vector.shape_cast %broadcast_in_dim3A_212 : vector<16xf32> to vector<16xf32>
    tpu.vector_store %arg13[%swap3A_213], %swap3A_216 {strides = array<i32>} : memref<512xf32, #tpu.memory_space<vmem>>, vector<16xf32>,
    %broadcast_in_dim3A_217 = arith.constant 0.000000e+00 : f32
    %broadcast_in_dim3A_218 = vector.broadcast %broadcast_in_dim3A_217 : f32 to vector<16xf32>
    %swap3A_219 = arith.constant 448 : index
    %swap3A_220 = tpu.vector_load %arg13[%swap3A_219] {strides = array<i32>} : memref<512xf32, #tpu.memory_space<vmem>>, vector<16xf32>,
    %swap3A_221 = vector.shape_cast %swap3A_220 : vector<16xf32> to vector<16xf32>
    %swap3A_222 = vector.shape_cast %broadcast_in_dim3A_218 : vector<16xf32> to vector<16xf32>
    tpu.vector_store %arg13[%swap3A_219], %swap3A_222 {strides = array<i32>} : memref<512xf32, #tpu.memory_space<vmem>>, vector<16xf32>,
    %broadcast_in_dim3A_223 = arith.constant 0.000000e+00 : f32
    %broadcast_in_dim3A_224 = vector.broadcast %broadcast_in_dim3A_223 : f32 to vector<16xf32>
    %swap3A_225 = arith.constant 464 : index
    %swap3A_226 = tpu.vector_load %arg13[%swap3A_225] {strides = array<i32>} : memref<512xf32, #tpu.memory_space<vmem>>, vector<16xf32>,
    %swap3A_227 = vector.shape_cast %swap3A_226 : vector<16xf32> to vector<16xf32>
    %swap3A_228 = vector.shape_cast %broadcast_in_dim3A_224 : vector<16xf32> to vector<16xf32>
    tpu.vector_store %arg13[%swap3A_225], %swap3A_228 {strides = array<i32>} : memref<512xf32, #tpu.memory_space<vmem>>, vector<16xf32>,
    %broadcast_in_dim3A_229 = arith.constant 0.000000e+00 : f32
    %broadcast_in_dim3A_230 = vector.broadcast %broadcast_in_dim3A_229 : f32 to vector<16xf32>
    %swap3A_231 = arith.constant 480 : index
    %swap3A_232 = tpu.vector_load %arg13[%swap3A_231] {strides = array<i32>} : memref<512xf32, #tpu.memory_space<vmem>>, vector<16xf32>,
    %swap3A_233 = vector.shape_cast %swap3A_232 : vector<16xf32> to vector<16xf32>
    %swap3A_234 = vector.shape_cast %broadcast_in_dim3A_230 : vector<16xf32> to vector<16xf32>
    tpu.vector_store %arg13[%swap3A_231], %swap3A_234 {strides = array<i32>} : memref<512xf32, #tpu.memory_space<vmem>>, vector<16xf32>,
    %broadcast_in_dim3A_235 = arith.constant 0.000000e+00 : f32
    %broadcast_in_dim3A_236 = vector.broadcast %broadcast_in_dim3A_235 : f32 to vector<16xf32>
    %swap3A_237 = arith.constant 496 : index
    %swap3A_238 = tpu.vector_load %arg13[%swap3A_237] {strides = array<i32>} : memref<512xf32, #tpu.memory_space<vmem>>, vector<16xf32>,
    %swap3A_239 = vector.shape_cast %swap3A_238 : vector<16xf32> to vector<16xf32>
    %swap3A_240 = vector.shape_cast %broadcast_in_dim3A_236 : vector<16xf32> to vector<16xf32>
    tpu.vector_store %arg13[%swap3A_237], %swap3A_240 {strides = array<i32>} : memref<512xf32, #tpu.memory_space<vmem>>, vector<16xf32>,
    %mul3A_241 = arith.constant 512 : i32
    %mul3A_242 = arith.muli %arg1, %mul3A_241 : i32
    "tpu.region"() ({
      %run_scoped3A_423 = tpu.sem_alloc : memref<!tpu.dma_semaphore, #tpu.memory_space<semaphore_mem>>
      %dma_start3A_424 = arith.constant 0 : i32
      %dma_start3A_425 = tpu.memref_slice %arg13[%dma_start3A_424] : memref<512xf32, #tpu.memory_space<vmem>> -> memref<512xf32, #tpu.memory_space<vmem>>
      %dma_start3A_426 = tpu.memref_slice %arg14[%mul3A_242] : memref<8192xf32, #tpu.memory_space<vmem_shared>> -> memref<512xf32, #tpu.memory_space<vmem_shared>>
      %dma_start3A_427 = tpu.memref_slice %arg14[%mul3A_242] : memref<8192xf32, #tpu.memory_space<vmem_shared>> -> memref<512xf32, #tpu.memory_space<vmem_shared>>
      %dma_start3A_428 = arith.constant 0 : i32
      %dma_start3A_429 = tpu.memref_slice %arg13[%dma_start3A_428] : memref<512xf32, #tpu.memory_space<vmem>> -> memref<512xf32, #tpu.memory_space<vmem>>
      tpu.enqueue_dma source(%dma_start3A_429 : memref<512xf32, #tpu.memory_space<vmem>>) target(%dma_start3A_427 : memref<512xf32, #tpu.memory_space<vmem_shared>>) target_semaphore(%run_scoped3A_423 : memref<!tpu.dma_semaphore, #tpu.memory_space<semaphore_mem>>)
      %dma_wait3A_430 = arith.constant 0 : i32
      %dma_wait3A_431 = tpu.memref_slice %arg13[%dma_wait3A_430] : memref<512xf32, #tpu.memory_space<vmem>> -> memref<512xf32, #tpu.memory_space<vmem>>
      %dma_wait3A_432 = tpu.memref_slice %arg14[%mul3A_242] : memref<8192xf32, #tpu.memory_space<vmem_shared>> -> memref<512xf32, #tpu.memory_space<vmem_shared>>
      %dma_wait3A_433 = tpu.memref_slice %arg14[%mul3A_242] : memref<8192xf32, #tpu.memory_space<vmem_shared>> -> memref<512xf32, #tpu.memory_space<vmem_shared>>
      %dma_wait3A_434 = arith.constant 0 : i32
      %dma_wait3A_435 = tpu.memref_slice %arg13[%dma_wait3A_434] : memref<512xf32, #tpu.memory_space<vmem>> -> memref<512xf32, #tpu.memory_space<vmem>>
      tpu.wait_dma2 semaphore(%run_scoped3A_423 : memref<!tpu.dma_semaphore, #tpu.memory_space<semaphore_mem>>) src(%dma_wait3A_435 : memref<512xf32, #tpu.memory_space<vmem>>) dst(%dma_wait3A_433 : memref<512xf32, #tpu.memory_space<vmem_shared>>)
      tpu.yield
    }) : () -> ()
    %mul3A_243 = arith.constant 32 : i32
    %mul3A_244 = arith.muli %arg1, %mul3A_243 : i32
    "tpu.region"() ({
      %run_scoped3A_423 = tpu.sem_alloc : memref<!tpu.dma_semaphore, #tpu.memory_space<semaphore_mem>>
      %dma_start3A_424 = arith.constant 0 : i32
      %dma_start3A_425 = tpu.memref_slice %arg13[%dma_start3A_424] : memref<512xf32, #tpu.memory_space<vmem>> -> memref<32xf32, #tpu.memory_space<vmem>>
      %dma_start3A_426 = tpu.memref_slice %arg15[%mul3A_244] : memref<512xf32, #tpu.memory_space<vmem_shared>> -> memref<32xf32, #tpu.memory_space<vmem_shared>>
      %dma_start3A_427 = tpu.memref_slice %arg15[%mul3A_244] : memref<512xf32, #tpu.memory_space<vmem_shared>> -> memref<32xf32, #tpu.memory_space<vmem_shared>>
      %dma_start3A_428 = arith.constant 0 : i32
      %dma_start3A_429 = tpu.memref_slice %arg13[%dma_start3A_428] : memref<512xf32, #tpu.memory_space<vmem>> -> memref<32xf32, #tpu.memory_space<vmem>>
      tpu.enqueue_dma source(%dma_start3A_429 : memref<32xf32, #tpu.memory_space<vmem>>) target(%dma_start3A_427 : memref<32xf32, #tpu.memory_space<vmem_shared>>) target_semaphore(%run_scoped3A_423 : memref<!tpu.dma_semaphore, #tpu.memory_space<semaphore_mem>>)
      %dma_wait3A_430 = arith.constant 0 : i32
      %dma_wait3A_431 = tpu.memref_slice %arg13[%dma_wait3A_430] : memref<512xf32, #tpu.memory_space<vmem>> -> memref<32xf32, #tpu.memory_space<vmem>>
      %dma_wait3A_432 = tpu.memref_slice %arg15[%mul3A_244] : memref<512xf32, #tpu.memory_space<vmem_shared>> -> memref<32xf32, #tpu.memory_space<vmem_shared>>
      %dma_wait3A_433 = tpu.memref_slice %arg15[%mul3A_244] : memref<512xf32, #tpu.memory_space<vmem_shared>> -> memref<32xf32, #tpu.memory_space<vmem_shared>>
      %dma_wait3A_434 = arith.constant 0 : i32
      %dma_wait3A_435 = tpu.memref_slice %arg13[%dma_wait3A_434] : memref<512xf32, #tpu.memory_space<vmem>> -> memref<32xf32, #tpu.memory_space<vmem>>
      tpu.wait_dma2 semaphore(%run_scoped3A_423 : memref<!tpu.dma_semaphore, #tpu.memory_space<semaphore_mem>>) src(%dma_wait3A_435 : memref<32xf32, #tpu.memory_space<vmem>>) dst(%dma_wait3A_433 : memref<32xf32, #tpu.memory_space<vmem_shared>>)
      tpu.yield
    }) : () -> ()
    %barrier3A = arith.constant 0 : index
    tpu.barrier barrier_id(%barrier3A)
    %mul3A_245 = arith.constant 4 : i32
    %mul3A_246 = arith.muli %add3A, %mul3A_245 : i32
    "tpu.region"() ({
      %run_scoped3A_423 = tpu.sem_alloc : memref<!tpu.dma_semaphore, #tpu.memory_space<semaphore_mem>>
      %dma_start3A_424 = arith.constant 0 : i32
      %dma_start3A_425 = tpu.memref_slice %arg4[%mul3A_246, %dma_start3A_424] : memref<128x128xi32, #tpu.memory_space<hbm>> -> memref<4x128xi32, #tpu.memory_space<hbm>>
      %dma_start3A_426 = arith.constant 0 : i32
      %dma_start3A_427 = tpu.memref_slice %arg4[%mul3A_246, %dma_start3A_426] : memref<128x128xi32, #tpu.memory_space<hbm>> -> memref<4x128xi32, #tpu.memory_space<hbm>>
      tpu.enqueue_dma source(%dma_start3A_427 : memref<4x128xi32, #tpu.memory_space<hbm>>) target(%arg10 : memref<4x128xi32, #tpu.memory_space<vmem>>) target_semaphore(%run_scoped3A_423 : memref<!tpu.dma_semaphore, #tpu.memory_space<semaphore_mem>>)
      %dma_wait3A_428 = arith.constant 0 : i32
      %dma_wait3A_429 = tpu.memref_slice %arg4[%mul3A_246, %dma_wait3A_428] : memref<128x128xi32, #tpu.memory_space<hbm>> -> memref<4x128xi32, #tpu.memory_space<hbm>>
      %dma_wait3A_430 = arith.constant 0 : i32
      %dma_wait3A_431 = tpu.memref_slice %arg4[%mul3A_246, %dma_wait3A_430] : memref<128x128xi32, #tpu.memory_space<hbm>> -> memref<4x128xi32, #tpu.memory_space<hbm>>
      tpu.wait_dma2 semaphore(%run_scoped3A_423 : memref<!tpu.dma_semaphore, #tpu.memory_space<semaphore_mem>>) src(%dma_wait3A_431 : memref<4x128xi32, #tpu.memory_space<hbm>>) dst(%arg10 : memref<4x128xi32, #tpu.memory_space<vmem>>)
      tpu.yield
    }) : () -> ()
    %dma_start3A = arith.constant 0 : i32
    %dma_start3A_247 = arith.constant 0 : i32
    %dma_start3A_248 = arith.constant 0 : i32
    %dma_start3A_249 = tpu.memref_slice %arg11[%dma_start3A_247, %dma_start3A_248] : memref<512x128xf32, #tpu.memory_space<vmem>> -> memref<128x128xf32, #tpu.memory_space<vmem>>
    %dma_start3A_250 = arith.constant 0 : i32
    %dma_start3A_251 = tpu.memref_slice %arg10[%dma_start3A, %dma_start3A_250] : memref<4x128xi32, #tpu.memory_space<vmem>> -> memref<1x128xi32, #tpu.memory_space<vmem>>
    %dma_start3A_252 = tpu.memref_squeeze %dma_start3A_251 : memref<1x128xi32, #tpu.memory_space<vmem>> -> memref<128xi32, #tpu.memory_space<vmem>>
    %dma_start3A_253 = arith.constant 0 : i32
    %dma_start3A_254 = arith.constant 0 : i32
    %dma_start3A_255 = tpu.memref_slice %arg2[%dma_start3A_253, %dma_start3A_254] : memref<8192x128xf32, #tpu.memory_space<hbm>> -> memref<8192x128xf32, #tpu.memory_space<hbm>>
    tpu.enqueue_indirect_dma source(%dma_start3A_255 : memref<8192x128xf32, #tpu.memory_space<hbm>>) target(%dma_start3A_249 : memref<128x128xf32, #tpu.memory_space<vmem>>) offsets(%dma_start3A_252 : memref<128xi32, #tpu.memory_space<vmem>>) semaphore(%arg16 : memref<!tpu.dma_semaphore, #tpu.memory_space<semaphore_mem>>)
    %dma_start3A_256 = arith.constant 1 : i32
    %dma_start3A_257 = arith.constant 128 : i32
    %dma_start3A_258 = arith.constant 0 : i32
    %dma_start3A_259 = tpu.memref_slice %arg11[%dma_start3A_257, %dma_start3A_258] : memref<512x128xf32, #tpu.memory_space<vmem>> -> memref<128x128xf32, #tpu.memory_space<vmem>>
    %dma_start3A_260 = arith.constant 0 : i32
    %dma_start3A_261 = tpu.memref_slice %arg10[%dma_start3A_256, %dma_start3A_260] : memref<4x128xi32, #tpu.memory_space<vmem>> -> memref<1x128xi32, #tpu.memory_space<vmem>>
    %dma_start3A_262 = tpu.memref_squeeze %dma_start3A_261 : memref<1x128xi32, #tpu.memory_space<vmem>> -> memref<128xi32, #tpu.memory_space<vmem>>
    %dma_start3A_263 = arith.constant 0 : i32
    %dma_start3A_264 = arith.constant 0 : i32
    %dma_start3A_265 = tpu.memref_slice %arg2[%dma_start3A_263, %dma_start3A_264] : memref<8192x128xf32, #tpu.memory_space<hbm>> -> memref<8192x128xf32, #tpu.memory_space<hbm>>
    tpu.enqueue_indirect_dma source(%dma_start3A_265 : memref<8192x128xf32, #tpu.memory_space<hbm>>) target(%dma_start3A_259 : memref<128x128xf32, #tpu.memory_space<vmem>>) offsets(%dma_start3A_262 : memref<128xi32, #tpu.memory_space<vmem>>) semaphore(%arg16 : memref<!tpu.dma_semaphore, #tpu.memory_space<semaphore_mem>>)
    %dma_start3A_266 = arith.constant 2 : i32
    %dma_start3A_267 = arith.constant 256 : i32
    %dma_start3A_268 = arith.constant 0 : i32
    %dma_start3A_269 = tpu.memref_slice %arg11[%dma_start3A_267, %dma_start3A_268] : memref<512x128xf32, #tpu.memory_space<vmem>> -> memref<128x128xf32, #tpu.memory_space<vmem>>
    %dma_start3A_270 = arith.constant 0 : i32
    %dma_start3A_271 = tpu.memref_slice %arg10[%dma_start3A_266, %dma_start3A_270] : memref<4x128xi32, #tpu.memory_space<vmem>> -> memref<1x128xi32, #tpu.memory_space<vmem>>
    %dma_start3A_272 = tpu.memref_squeeze %dma_start3A_271 : memref<1x128xi32, #tpu.memory_space<vmem>> -> memref<128xi32, #tpu.memory_space<vmem>>
    %dma_start3A_273 = arith.constant 0 : i32
    %dma_start3A_274 = arith.constant 0 : i32
    %dma_start3A_275 = tpu.memref_slice %arg2[%dma_start3A_273, %dma_start3A_274] : memref<8192x128xf32, #tpu.memory_space<hbm>> -> memref<8192x128xf32, #tpu.memory_space<hbm>>
    tpu.enqueue_indirect_dma source(%dma_start3A_275 : memref<8192x128xf32, #tpu.memory_space<hbm>>) target(%dma_start3A_269 : memref<128x128xf32, #tpu.memory_space<vmem>>) offsets(%dma_start3A_272 : memref<128xi32, #tpu.memory_space<vmem>>) semaphore(%arg16 : memref<!tpu.dma_semaphore, #tpu.memory_space<semaphore_mem>>)
    %dma_start3A_276 = arith.constant 3 : i32
    %dma_start3A_277 = arith.constant 384 : i32
    %dma_start3A_278 = arith.constant 0 : i32
    %dma_start3A_279 = tpu.memref_slice %arg11[%dma_start3A_277, %dma_start3A_278] : memref<512x128xf32, #tpu.memory_space<vmem>> -> memref<128x128xf32, #tpu.memory_space<vmem>>
    %dma_start3A_280 = arith.constant 0 : i32
    %dma_start3A_281 = tpu.memref_slice %arg10[%dma_start3A_276, %dma_start3A_280] : memref<4x128xi32, #tpu.memory_space<vmem>> -> memref<1x128xi32, #tpu.memory_space<vmem>>
    %dma_start3A_282 = tpu.memref_squeeze %dma_start3A_281 : memref<1x128xi32, #tpu.memory_space<vmem>> -> memref<128xi32, #tpu.memory_space<vmem>>
    %dma_start3A_283 = arith.constant 0 : i32
    %dma_start3A_284 = arith.constant 0 : i32
    %dma_start3A_285 = tpu.memref_slice %arg2[%dma_start3A_283, %dma_start3A_284] : memref<8192x128xf32, #tpu.memory_space<hbm>> -> memref<8192x128xf32, #tpu.memory_space<hbm>>
    tpu.enqueue_indirect_dma source(%dma_start3A_285 : memref<8192x128xf32, #tpu.memory_space<hbm>>) target(%dma_start3A_279 : memref<128x128xf32, #tpu.memory_space<vmem>>) offsets(%dma_start3A_282 : memref<128xi32, #tpu.memory_space<vmem>>) semaphore(%arg16 : memref<!tpu.dma_semaphore, #tpu.memory_space<semaphore_mem>>)
    %run_scoped3A = arith.constant 0 : i32
    "tpu.region"() ({
      %run_scoped3A_423 = tpu.sem_alloc : memref<!tpu.dma_semaphore, #tpu.memory_space<semaphore_mem>>
      %dma_start3A_424 = arith.constant 0 : i32
      %dma_start3A_425 = tpu.memref_slice %arg10[%run_scoped3A, %dma_start3A_424] : memref<4x128xi32, #tpu.memory_space<vmem>> -> memref<1x128xi32, #tpu.memory_space<vmem>>
      %dma_start3A_426 = tpu.memref_squeeze %dma_start3A_425 : memref<1x128xi32, #tpu.memory_space<vmem>> -> memref<128xi32, #tpu.memory_space<vmem>>
      %dma_start3A_427 = arith.constant 0 : i32
      %dma_start3A_428 = tpu.memref_slice %arg14[%dma_start3A_427] : memref<8192xf32, #tpu.memory_space<vmem_shared>> -> memref<8192xf32, #tpu.memory_space<vmem_shared>>
      tpu.enqueue_indirect_dma source(%arg12 : memref<128xf32, #tpu.memory_space<vmem>>) target(%dma_start3A_428 : memref<8192xf32, #tpu.memory_space<vmem_shared>>) offsets(%dma_start3A_426 : memref<128xi32, #tpu.memory_space<vmem>>) semaphore(%run_scoped3A_423 : memref<!tpu.dma_semaphore, #tpu.memory_space<semaphore_mem>>) {add = true}
      %dma_wait3A_429 = arith.constant 0 : i32
      %dma_wait3A_430 = tpu.memref_slice %arg10[%run_scoped3A, %dma_wait3A_429] : memref<4x128xi32, #tpu.memory_space<vmem>> -> memref<1x128xi32, #tpu.memory_space<vmem>>
      %dma_wait3A_431 = tpu.memref_squeeze %dma_wait3A_430 : memref<1x128xi32, #tpu.memory_space<vmem>> -> memref<128xi32, #tpu.memory_space<vmem>>
      %dma_wait3A_432 = arith.constant 0 : i32
      %dma_wait3A_433 = tpu.memref_slice %arg14[%dma_wait3A_432] : memref<8192xf32, #tpu.memory_space<vmem_shared>> -> memref<8192xf32, #tpu.memory_space<vmem_shared>>
      tpu.wait_indirect_dma semaphore(%run_scoped3A_423 : memref<!tpu.dma_semaphore, #tpu.memory_space<semaphore_mem>>) src(%arg12 : memref<128xf32, #tpu.memory_space<vmem>>) dst(%dma_wait3A_433 : memref<8192xf32, #tpu.memory_space<vmem_shared>>)
      tpu.yield
    }) : () -> ()
    %run_scoped3A_286 = arith.constant 1 : i32
    "tpu.region"() ({
      %run_scoped3A_423 = tpu.sem_alloc : memref<!tpu.dma_semaphore, #tpu.memory_space<semaphore_mem>>
      %dma_start3A_424 = arith.constant 0 : i32
      %dma_start3A_425 = tpu.memref_slice %arg10[%run_scoped3A_286, %dma_start3A_424] : memref<4x128xi32, #tpu.memory_space<vmem>> -> memref<1x128xi32, #tpu.memory_space<vmem>>
      %dma_start3A_426 = tpu.memref_squeeze %dma_start3A_425 : memref<1x128xi32, #tpu.memory_space<vmem>> -> memref<128xi32, #tpu.memory_space<vmem>>
      %dma_start3A_427 = arith.constant 0 : i32
      %dma_start3A_428 = tpu.memref_slice %arg14[%dma_start3A_427] : memref<8192xf32, #tpu.memory_space<vmem_shared>> -> memref<8192xf32, #tpu.memory_space<vmem_shared>>
      tpu.enqueue_indirect_dma source(%arg12 : memref<128xf32, #tpu.memory_space<vmem>>) target(%dma_start3A_428 : memref<8192xf32, #tpu.memory_space<vmem_shared>>) offsets(%dma_start3A_426 : memref<128xi32, #tpu.memory_space<vmem>>) semaphore(%run_scoped3A_423 : memref<!tpu.dma_semaphore, #tpu.memory_space<semaphore_mem>>) {add = true}
      %dma_wait3A_429 = arith.constant 0 : i32
      %dma_wait3A_430 = tpu.memref_slice %arg10[%run_scoped3A_286, %dma_wait3A_429] : memref<4x128xi32, #tpu.memory_space<vmem>> -> memref<1x128xi32, #tpu.memory_space<vmem>>
      %dma_wait3A_431 = tpu.memref_squeeze %dma_wait3A_430 : memref<1x128xi32, #tpu.memory_space<vmem>> -> memref<128xi32, #tpu.memory_space<vmem>>
      %dma_wait3A_432 = arith.constant 0 : i32
      %dma_wait3A_433 = tpu.memref_slice %arg14[%dma_wait3A_432] : memref<8192xf32, #tpu.memory_space<vmem_shared>> -> memref<8192xf32, #tpu.memory_space<vmem_shared>>
      tpu.wait_indirect_dma semaphore(%run_scoped3A_423 : memref<!tpu.dma_semaphore, #tpu.memory_space<semaphore_mem>>) src(%arg12 : memref<128xf32, #tpu.memory_space<vmem>>) dst(%dma_wait3A_433 : memref<8192xf32, #tpu.memory_space<vmem_shared>>)
      tpu.yield
    }) : () -> ()
    %run_scoped3A_287 = arith.constant 2 : i32
    "tpu.region"() ({
      %run_scoped3A_423 = tpu.sem_alloc : memref<!tpu.dma_semaphore, #tpu.memory_space<semaphore_mem>>
      %dma_start3A_424 = arith.constant 0 : i32
      %dma_start3A_425 = tpu.memref_slice %arg10[%run_scoped3A_287, %dma_start3A_424] : memref<4x128xi32, #tpu.memory_space<vmem>> -> memref<1x128xi32, #tpu.memory_space<vmem>>
      %dma_start3A_426 = tpu.memref_squeeze %dma_start3A_425 : memref<1x128xi32, #tpu.memory_space<vmem>> -> memref<128xi32, #tpu.memory_space<vmem>>
      %dma_start3A_427 = arith.constant 0 : i32
      %dma_start3A_428 = tpu.memref_slice %arg14[%dma_start3A_427] : memref<8192xf32, #tpu.memory_space<vmem_shared>> -> memref<8192xf32, #tpu.memory_space<vmem_shared>>
      tpu.enqueue_indirect_dma source(%arg12 : memref<128xf32, #tpu.memory_space<vmem>>) target(%dma_start3A_428 : memref<8192xf32, #tpu.memory_space<vmem_shared>>) offsets(%dma_start3A_426 : memref<128xi32, #tpu.memory_space<vmem>>) semaphore(%run_scoped3A_423 : memref<!tpu.dma_semaphore, #tpu.memory_space<semaphore_mem>>) {add = true}
      %dma_wait3A_429 = arith.constant 0 : i32
      %dma_wait3A_430 = tpu.memref_slice %arg10[%run_scoped3A_287, %dma_wait3A_429] : memref<4x128xi32, #tpu.memory_space<vmem>> -> memref<1x128xi32, #tpu.memory_space<vmem>>
      %dma_wait3A_431 = tpu.memref_squeeze %dma_wait3A_430 : memref<1x128xi32, #tpu.memory_space<vmem>> -> memref<128xi32, #tpu.memory_space<vmem>>
      %dma_wait3A_432 = arith.constant 0 : i32
      %dma_wait3A_433 = tpu.memref_slice %arg14[%dma_wait3A_432] : memref<8192xf32, #tpu.memory_space<vmem_shared>> -> memref<8192xf32, #tpu.memory_space<vmem_shared>>
      tpu.wait_indirect_dma semaphore(%run_scoped3A_423 : memref<!tpu.dma_semaphore, #tpu.memory_space<semaphore_mem>>) src(%arg12 : memref<128xf32, #tpu.memory_space<vmem>>) dst(%dma_wait3A_433 : memref<8192xf32, #tpu.memory_space<vmem_shared>>)
      tpu.yield
    }) : () -> ()
    %run_scoped3A_288 = arith.constant 3 : i32
    "tpu.region"() ({
      %run_scoped3A_423 = tpu.sem_alloc : memref<!tpu.dma_semaphore, #tpu.memory_space<semaphore_mem>>
      %dma_start3A_424 = arith.constant 0 : i32
      %dma_start3A_425 = tpu.memref_slice %arg10[%run_scoped3A_288, %dma_start3A_424] : memref<4x128xi32, #tpu.memory_space<vmem>> -> memref<1x128xi32, #tpu.memory_space<vmem>>
      %dma_start3A_426 = tpu.memref_squeeze %dma_start3A_425 : memref<1x128xi32, #tpu.memory_space<vmem>> -> memref<128xi32, #tpu.memory_space<vmem>>
      %dma_start3A_427 = arith.constant 0 : i32
      %dma_start3A_428 = tpu.memref_slice %arg14[%dma_start3A_427] : memref<8192xf32, #tpu.memory_space<vmem_shared>> -> memref<8192xf32, #tpu.memory_space<vmem_shared>>
      tpu.enqueue_indirect_dma source(%arg12 : memref<128xf32, #tpu.memory_space<vmem>>) target(%dma_start3A_428 : memref<8192xf32, #tpu.memory_space<vmem_shared>>) offsets(%dma_start3A_426 : memref<128xi32, #tpu.memory_space<vmem>>) semaphore(%run_scoped3A_423 : memref<!tpu.dma_semaphore, #tpu.memory_space<semaphore_mem>>) {add = true}
      %dma_wait3A_429 = arith.constant 0 : i32
      %dma_wait3A_430 = tpu.memref_slice %arg10[%run_scoped3A_288, %dma_wait3A_429] : memref<4x128xi32, #tpu.memory_space<vmem>> -> memref<1x128xi32, #tpu.memory_space<vmem>>
      %dma_wait3A_431 = tpu.memref_squeeze %dma_wait3A_430 : memref<1x128xi32, #tpu.memory_space<vmem>> -> memref<128xi32, #tpu.memory_space<vmem>>
      %dma_wait3A_432 = arith.constant 0 : i32
      %dma_wait3A_433 = tpu.memref_slice %arg14[%dma_wait3A_432] : memref<8192xf32, #tpu.memory_space<vmem_shared>> -> memref<8192xf32, #tpu.memory_space<vmem_shared>>
      tpu.wait_indirect_dma semaphore(%run_scoped3A_423 : memref<!tpu.dma_semaphore, #tpu.memory_space<semaphore_mem>>) src(%arg12 : memref<128xf32, #tpu.memory_space<vmem>>) dst(%dma_wait3A_433 : memref<8192xf32, #tpu.memory_space<vmem_shared>>)
      tpu.yield
    }) : () -> ()
    %dma_wait3A = arith.constant 0 : i32
    %dma_wait3A_289 = arith.constant 0 : i32
    %dma_wait3A_290 = arith.constant 0 : i32
    %dma_wait3A_291 = tpu.memref_slice %arg11[%dma_wait3A_289, %dma_wait3A_290] : memref<512x128xf32, #tpu.memory_space<vmem>> -> memref<128x128xf32, #tpu.memory_space<vmem>>
    %dma_wait3A_292 = arith.constant 0 : i32
    %dma_wait3A_293 = tpu.memref_slice %arg10[%dma_wait3A, %dma_wait3A_292] : memref<4x128xi32, #tpu.memory_space<vmem>> -> memref<1x128xi32, #tpu.memory_space<vmem>>
    %dma_wait3A_294 = tpu.memref_squeeze %dma_wait3A_293 : memref<1x128xi32, #tpu.memory_space<vmem>> -> memref<128xi32, #tpu.memory_space<vmem>>
    %dma_wait3A_295 = arith.constant 0 : i32
    %dma_wait3A_296 = arith.constant 0 : i32
    %dma_wait3A_297 = tpu.memref_slice %arg2[%dma_wait3A_295, %dma_wait3A_296] : memref<8192x128xf32, #tpu.memory_space<hbm>> -> memref<8192x128xf32, #tpu.memory_space<hbm>>
    tpu.wait_indirect_dma semaphore(%arg16 : memref<!tpu.dma_semaphore, #tpu.memory_space<semaphore_mem>>) src(%dma_wait3A_297 : memref<8192x128xf32, #tpu.memory_space<hbm>>) dst(%dma_wait3A_291 : memref<128x128xf32, #tpu.memory_space<vmem>>)
    %dma_wait3A_298 = arith.constant 1 : i32
    %dma_wait3A_299 = arith.constant 128 : i32
    %dma_wait3A_300 = arith.constant 0 : i32
    %dma_wait3A_301 = tpu.memref_slice %arg11[%dma_wait3A_299, %dma_wait3A_300] : memref<512x128xf32, #tpu.memory_space<vmem>> -> memref<128x128xf32, #tpu.memory_space<vmem>>
    %dma_wait3A_302 = arith.constant 0 : i32
    %dma_wait3A_303 = tpu.memref_slice %arg10[%dma_wait3A_298, %dma_wait3A_302] : memref<4x128xi32, #tpu.memory_space<vmem>> -> memref<1x128xi32, #tpu.memory_space<vmem>>
    %dma_wait3A_304 = tpu.memref_squeeze %dma_wait3A_303 : memref<1x128xi32, #tpu.memory_space<vmem>> -> memref<128xi32, #tpu.memory_space<vmem>>
    %dma_wait3A_305 = arith.constant 0 : i32
    %dma_wait3A_306 = arith.constant 0 : i32
    %dma_wait3A_307 = tpu.memref_slice %arg2[%dma_wait3A_305, %dma_wait3A_306] : memref<8192x128xf32, #tpu.memory_space<hbm>> -> memref<8192x128xf32, #tpu.memory_space<hbm>>
    tpu.wait_indirect_dma semaphore(%arg16 : memref<!tpu.dma_semaphore, #tpu.memory_space<semaphore_mem>>) src(%dma_wait3A_307 : memref<8192x128xf32, #tpu.memory_space<hbm>>) dst(%dma_wait3A_301 : memref<128x128xf32, #tpu.memory_space<vmem>>)
    %dma_wait3A_308 = arith.constant 2 : i32
    %dma_wait3A_309 = arith.constant 256 : i32
    %dma_wait3A_310 = arith.constant 0 : i32
    %dma_wait3A_311 = tpu.memref_slice %arg11[%dma_wait3A_309, %dma_wait3A_310] : memref<512x128xf32, #tpu.memory_space<vmem>> -> memref<128x128xf32, #tpu.memory_space<vmem>>
    %dma_wait3A_312 = arith.constant 0 : i32
    %dma_wait3A_313 = tpu.memref_slice %arg10[%dma_wait3A_308, %dma_wait3A_312] : memref<4x128xi32, #tpu.memory_space<vmem>> -> memref<1x128xi32, #tpu.memory_space<vmem>>
    %dma_wait3A_314 = tpu.memref_squeeze %dma_wait3A_313 : memref<1x128xi32, #tpu.memory_space<vmem>> -> memref<128xi32, #tpu.memory_space<vmem>>
    %dma_wait3A_315 = arith.constant 0 : i32
    %dma_wait3A_316 = arith.constant 0 : i32
    %dma_wait3A_317 = tpu.memref_slice %arg2[%dma_wait3A_315, %dma_wait3A_316] : memref<8192x128xf32, #tpu.memory_space<hbm>> -> memref<8192x128xf32, #tpu.memory_space<hbm>>
    tpu.wait_indirect_dma semaphore(%arg16 : memref<!tpu.dma_semaphore, #tpu.memory_space<semaphore_mem>>) src(%dma_wait3A_317 : memref<8192x128xf32, #tpu.memory_space<hbm>>) dst(%dma_wait3A_311 : memref<128x128xf32, #tpu.memory_space<vmem>>)
    %dma_wait3A_318 = arith.constant 3 : i32
    %dma_wait3A_319 = arith.constant 384 : i32
    %dma_wait3A_320 = arith.constant 0 : i32
    %dma_wait3A_321 = tpu.memref_slice %arg11[%dma_wait3A_319, %dma_wait3A_320] : memref<512x128xf32, #tpu.memory_space<vmem>> -> memref<128x128xf32, #tpu.memory_space<vmem>>
    %dma_wait3A_322 = arith.constant 0 : i32
    %dma_wait3A_323 = tpu.memref_slice %arg10[%dma_wait3A_318, %dma_wait3A_322] : memref<4x128xi32, #tpu.memory_space<vmem>> -> memref<1x128xi32, #tpu.memory_space<vmem>>
    %dma_wait3A_324 = tpu.memref_squeeze %dma_wait3A_323 : memref<1x128xi32, #tpu.memory_space<vmem>> -> memref<128xi32, #tpu.memory_space<vmem>>
    %dma_wait3A_325 = arith.constant 0 : i32
    %dma_wait3A_326 = arith.constant 0 : i32
    %dma_wait3A_327 = tpu.memref_slice %arg2[%dma_wait3A_325, %dma_wait3A_326] : memref<8192x128xf32, #tpu.memory_space<hbm>> -> memref<8192x128xf32, #tpu.memory_space<hbm>>
    tpu.wait_indirect_dma semaphore(%arg16 : memref<!tpu.dma_semaphore, #tpu.memory_space<semaphore_mem>>) src(%dma_wait3A_327 : memref<8192x128xf32, #tpu.memory_space<hbm>>) dst(%dma_wait3A_321 : memref<128x128xf32, #tpu.memory_space<vmem>>)
    "tpu.region"() ({
      %run_scoped3A_423 = tpu.sem_alloc : memref<!tpu.dma_semaphore, #tpu.memory_space<semaphore_mem>>
      %dma_start3A_424 = arith.constant 0 : i32
      %dma_start3A_425 = tpu.memref_slice %arg6[%mul3A_2, %dma_start3A_424] : memref<16384x128xf32, #tpu.memory_space<hbm>> -> memref<512x128xf32, #tpu.memory_space<hbm>>
      %dma_start3A_426 = arith.constant 0 : i32
      %dma_start3A_427 = tpu.memref_slice %arg6[%mul3A_2, %dma_start3A_426] : memref<16384x128xf32, #tpu.memory_space<hbm>> -> memref<512x128xf32, #tpu.memory_space<hbm>>
      tpu.enqueue_dma source(%arg11 : memref<512x128xf32, #tpu.memory_space<vmem>>) target(%dma_start3A_427 : memref<512x128xf32, #tpu.memory_space<hbm>>) target_semaphore(%run_scoped3A_423 : memref<!tpu.dma_semaphore, #tpu.memory_space<semaphore_mem>>)
      %dma_wait3A_428 = arith.constant 0 : i32
      %dma_wait3A_429 = tpu.memref_slice %arg6[%mul3A_2, %dma_wait3A_428] : memref<16384x128xf32, #tpu.memory_space<hbm>> -> memref<512x128xf32, #tpu.memory_space<hbm>>
      %dma_wait3A_430 = arith.constant 0 : i32
      %dma_wait3A_431 = tpu.memref_slice %arg6[%mul3A_2, %dma_wait3A_430] : memref<16384x128xf32, #tpu.memory_space<hbm>> -> memref<512x128xf32, #tpu.memory_space<hbm>>
      tpu.wait_dma2 semaphore(%run_scoped3A_423 : memref<!tpu.dma_semaphore, #tpu.memory_space<semaphore_mem>>) src(%arg11 : memref<512x128xf32, #tpu.memory_space<vmem>>) dst(%dma_wait3A_431 : memref<512x128xf32, #tpu.memory_space<hbm>>)
      tpu.yield
    }) : () -> ()
    %mul3A_328 = arith.constant 4 : i32
    %mul3A_329 = arith.muli %add3A, %mul3A_328 : i32
    "tpu.region"() ({
      %run_scoped3A_423 = tpu.sem_alloc : memref<!tpu.dma_semaphore, #tpu.memory_space<semaphore_mem>>
      %dma_start3A_424 = arith.constant 0 : i32
      %dma_start3A_425 = tpu.memref_slice %arg5[%mul3A_329, %dma_start3A_424] : memref<128x128xi32, #tpu.memory_space<hbm>> -> memref<4x128xi32, #tpu.memory_space<hbm>>
      %dma_start3A_426 = arith.constant 0 : i32
      %dma_start3A_427 = tpu.memref_slice %arg5[%mul3A_329, %dma_start3A_426] : memref<128x128xi32, #tpu.memory_space<hbm>> -> memref<4x128xi32, #tpu.memory_space<hbm>>
      tpu.enqueue_dma source(%dma_start3A_427 : memref<4x128xi32, #tpu.memory_space<hbm>>) target(%arg10 : memref<4x128xi32, #tpu.memory_space<vmem>>) target_semaphore(%run_scoped3A_423 : memref<!tpu.dma_semaphore, #tpu.memory_space<semaphore_mem>>)
      %dma_wait3A_428 = arith.constant 0 : i32
      %dma_wait3A_429 = tpu.memref_slice %arg5[%mul3A_329, %dma_wait3A_428] : memref<128x128xi32, #tpu.memory_space<hbm>> -> memref<4x128xi32, #tpu.memory_space<hbm>>
      %dma_wait3A_430 = arith.constant 0 : i32
      %dma_wait3A_431 = tpu.memref_slice %arg5[%mul3A_329, %dma_wait3A_430] : memref<128x128xi32, #tpu.memory_space<hbm>> -> memref<4x128xi32, #tpu.memory_space<hbm>>
      tpu.wait_dma2 semaphore(%run_scoped3A_423 : memref<!tpu.dma_semaphore, #tpu.memory_space<semaphore_mem>>) src(%dma_wait3A_431 : memref<4x128xi32, #tpu.memory_space<hbm>>) dst(%arg10 : memref<4x128xi32, #tpu.memory_space<vmem>>)
      tpu.yield
    }) : () -> ()
    %dma_start3A_330 = arith.constant 0 : i32
    %dma_start3A_331 = arith.constant 0 : i32
    %dma_start3A_332 = arith.constant 0 : i32
    %dma_start3A_333 = tpu.memref_slice %arg11[%dma_start3A_331, %dma_start3A_332] : memref<512x128xf32, #tpu.memory_space<vmem>> -> memref<128x128xf32, #tpu.memory_space<vmem>>
    %dma_start3A_334 = arith.constant 0 : i32
    %dma_start3A_335 = tpu.memref_slice %arg10[%dma_start3A_330, %dma_start3A_334] : memref<4x128xi32, #tpu.memory_space<vmem>> -> memref<1x128xi32, #tpu.memory_space<vmem>>
    %dma_start3A_336 = tpu.memref_squeeze %dma_start3A_335 : memref<1x128xi32, #tpu.memory_space<vmem>> -> memref<128xi32, #tpu.memory_space<vmem>>
    %dma_start3A_337 = arith.constant 0 : i32
    %dma_start3A_338 = arith.constant 0 : i32
    %dma_start3A_339 = tpu.memref_slice %arg3[%dma_start3A_337, %dma_start3A_338] : memref<512x128xf32, #tpu.memory_space<hbm>> -> memref<512x128xf32, #tpu.memory_space<hbm>>
    tpu.enqueue_indirect_dma source(%dma_start3A_339 : memref<512x128xf32, #tpu.memory_space<hbm>>) target(%dma_start3A_333 : memref<128x128xf32, #tpu.memory_space<vmem>>) offsets(%dma_start3A_336 : memref<128xi32, #tpu.memory_space<vmem>>) semaphore(%arg16 : memref<!tpu.dma_semaphore, #tpu.memory_space<semaphore_mem>>)
    %dma_start3A_340 = arith.constant 1 : i32
    %dma_start3A_341 = arith.constant 128 : i32
    %dma_start3A_342 = arith.constant 0 : i32
    %dma_start3A_343 = tpu.memref_slice %arg11[%dma_start3A_341, %dma_start3A_342] : memref<512x128xf32, #tpu.memory_space<vmem>> -> memref<128x128xf32, #tpu.memory_space<vmem>>
    %dma_start3A_344 = arith.constant 0 : i32
    %dma_start3A_345 = tpu.memref_slice %arg10[%dma_start3A_340, %dma_start3A_344] : memref<4x128xi32, #tpu.memory_space<vmem>> -> memref<1x128xi32, #tpu.memory_space<vmem>>
    %dma_start3A_346 = tpu.memref_squeeze %dma_start3A_345 : memref<1x128xi32, #tpu.memory_space<vmem>> -> memref<128xi32, #tpu.memory_space<vmem>>
    %dma_start3A_347 = arith.constant 0 : i32
    %dma_start3A_348 = arith.constant 0 : i32
    %dma_start3A_349 = tpu.memref_slice %arg3[%dma_start3A_347, %dma_start3A_348] : memref<512x128xf32, #tpu.memory_space<hbm>> -> memref<512x128xf32, #tpu.memory_space<hbm>>
    tpu.enqueue_indirect_dma source(%dma_start3A_349 : memref<512x128xf32, #tpu.memory_space<hbm>>) target(%dma_start3A_343 : memref<128x128xf32, #tpu.memory_space<vmem>>) offsets(%dma_start3A_346 : memref<128xi32, #tpu.memory_space<vmem>>) semaphore(%arg16 : memref<!tpu.dma_semaphore, #tpu.memory_space<semaphore_mem>>)
    %dma_start3A_350 = arith.constant 2 : i32
    %dma_start3A_351 = arith.constant 256 : i32
    %dma_start3A_352 = arith.constant 0 : i32
    %dma_start3A_353 = tpu.memref_slice %arg11[%dma_start3A_351, %dma_start3A_352] : memref<512x128xf32, #tpu.memory_space<vmem>> -> memref<128x128xf32, #tpu.memory_space<vmem>>
    %dma_start3A_354 = arith.constant 0 : i32
    %dma_start3A_355 = tpu.memref_slice %arg10[%dma_start3A_350, %dma_start3A_354] : memref<4x128xi32, #tpu.memory_space<vmem>> -> memref<1x128xi32, #tpu.memory_space<vmem>>
    %dma_start3A_356 = tpu.memref_squeeze %dma_start3A_355 : memref<1x128xi32, #tpu.memory_space<vmem>> -> memref<128xi32, #tpu.memory_space<vmem>>
    %dma_start3A_357 = arith.constant 0 : i32
    %dma_start3A_358 = arith.constant 0 : i32
    %dma_start3A_359 = tpu.memref_slice %arg3[%dma_start3A_357, %dma_start3A_358] : memref<512x128xf32, #tpu.memory_space<hbm>> -> memref<512x128xf32, #tpu.memory_space<hbm>>
    tpu.enqueue_indirect_dma source(%dma_start3A_359 : memref<512x128xf32, #tpu.memory_space<hbm>>) target(%dma_start3A_353 : memref<128x128xf32, #tpu.memory_space<vmem>>) offsets(%dma_start3A_356 : memref<128xi32, #tpu.memory_space<vmem>>) semaphore(%arg16 : memref<!tpu.dma_semaphore, #tpu.memory_space<semaphore_mem>>)
    %dma_start3A_360 = arith.constant 3 : i32
    %dma_start3A_361 = arith.constant 384 : i32
    %dma_start3A_362 = arith.constant 0 : i32
    %dma_start3A_363 = tpu.memref_slice %arg11[%dma_start3A_361, %dma_start3A_362] : memref<512x128xf32, #tpu.memory_space<vmem>> -> memref<128x128xf32, #tpu.memory_space<vmem>>
    %dma_start3A_364 = arith.constant 0 : i32
    %dma_start3A_365 = tpu.memref_slice %arg10[%dma_start3A_360, %dma_start3A_364] : memref<4x128xi32, #tpu.memory_space<vmem>> -> memref<1x128xi32, #tpu.memory_space<vmem>>
    %dma_start3A_366 = tpu.memref_squeeze %dma_start3A_365 : memref<1x128xi32, #tpu.memory_space<vmem>> -> memref<128xi32, #tpu.memory_space<vmem>>
    %dma_start3A_367 = arith.constant 0 : i32
    %dma_start3A_368 = arith.constant 0 : i32
    %dma_start3A_369 = tpu.memref_slice %arg3[%dma_start3A_367, %dma_start3A_368] : memref<512x128xf32, #tpu.memory_space<hbm>> -> memref<512x128xf32, #tpu.memory_space<hbm>>
    tpu.enqueue_indirect_dma source(%dma_start3A_369 : memref<512x128xf32, #tpu.memory_space<hbm>>) target(%dma_start3A_363 : memref<128x128xf32, #tpu.memory_space<vmem>>) offsets(%dma_start3A_366 : memref<128xi32, #tpu.memory_space<vmem>>) semaphore(%arg16 : memref<!tpu.dma_semaphore, #tpu.memory_space<semaphore_mem>>)
    %run_scoped3A_370 = arith.constant 0 : i32
    "tpu.region"() ({
      %run_scoped3A_423 = tpu.sem_alloc : memref<!tpu.dma_semaphore, #tpu.memory_space<semaphore_mem>>
      %dma_start3A_424 = arith.constant 0 : i32
      %dma_start3A_425 = tpu.memref_slice %arg10[%run_scoped3A_370, %dma_start3A_424] : memref<4x128xi32, #tpu.memory_space<vmem>> -> memref<1x128xi32, #tpu.memory_space<vmem>>
      %dma_start3A_426 = tpu.memref_squeeze %dma_start3A_425 : memref<1x128xi32, #tpu.memory_space<vmem>> -> memref<128xi32, #tpu.memory_space<vmem>>
      %dma_start3A_427 = arith.constant 0 : i32
      %dma_start3A_428 = tpu.memref_slice %arg15[%dma_start3A_427] : memref<512xf32, #tpu.memory_space<vmem_shared>> -> memref<512xf32, #tpu.memory_space<vmem_shared>>
      tpu.enqueue_indirect_dma source(%arg12 : memref<128xf32, #tpu.memory_space<vmem>>) target(%dma_start3A_428 : memref<512xf32, #tpu.memory_space<vmem_shared>>) offsets(%dma_start3A_426 : memref<128xi32, #tpu.memory_space<vmem>>) semaphore(%run_scoped3A_423 : memref<!tpu.dma_semaphore, #tpu.memory_space<semaphore_mem>>) {add = true}
      %dma_wait3A_429 = arith.constant 0 : i32
      %dma_wait3A_430 = tpu.memref_slice %arg10[%run_scoped3A_370, %dma_wait3A_429] : memref<4x128xi32, #tpu.memory_space<vmem>> -> memref<1x128xi32, #tpu.memory_space<vmem>>
      %dma_wait3A_431 = tpu.memref_squeeze %dma_wait3A_430 : memref<1x128xi32, #tpu.memory_space<vmem>> -> memref<128xi32, #tpu.memory_space<vmem>>
      %dma_wait3A_432 = arith.constant 0 : i32
      %dma_wait3A_433 = tpu.memref_slice %arg15[%dma_wait3A_432] : memref<512xf32, #tpu.memory_space<vmem_shared>> -> memref<512xf32, #tpu.memory_space<vmem_shared>>
      tpu.wait_indirect_dma semaphore(%run_scoped3A_423 : memref<!tpu.dma_semaphore, #tpu.memory_space<semaphore_mem>>) src(%arg12 : memref<128xf32, #tpu.memory_space<vmem>>) dst(%dma_wait3A_433 : memref<512xf32, #tpu.memory_space<vmem_shared>>)
      tpu.yield
    }) : () -> ()
    %run_scoped3A_371 = arith.constant 1 : i32
    "tpu.region"() ({
      %run_scoped3A_423 = tpu.sem_alloc : memref<!tpu.dma_semaphore, #tpu.memory_space<semaphore_mem>>
      %dma_start3A_424 = arith.constant 0 : i32
      %dma_start3A_425 = tpu.memref_slice %arg10[%run_scoped3A_371, %dma_start3A_424] : memref<4x128xi32, #tpu.memory_space<vmem>> -> memref<1x128xi32, #tpu.memory_space<vmem>>
      %dma_start3A_426 = tpu.memref_squeeze %dma_start3A_425 : memref<1x128xi32, #tpu.memory_space<vmem>> -> memref<128xi32, #tpu.memory_space<vmem>>
      %dma_start3A_427 = arith.constant 0 : i32
      %dma_start3A_428 = tpu.memref_slice %arg15[%dma_start3A_427] : memref<512xf32, #tpu.memory_space<vmem_shared>> -> memref<512xf32, #tpu.memory_space<vmem_shared>>
      tpu.enqueue_indirect_dma source(%arg12 : memref<128xf32, #tpu.memory_space<vmem>>) target(%dma_start3A_428 : memref<512xf32, #tpu.memory_space<vmem_shared>>) offsets(%dma_start3A_426 : memref<128xi32, #tpu.memory_space<vmem>>) semaphore(%run_scoped3A_423 : memref<!tpu.dma_semaphore, #tpu.memory_space<semaphore_mem>>) {add = true}
      %dma_wait3A_429 = arith.constant 0 : i32
      %dma_wait3A_430 = tpu.memref_slice %arg10[%run_scoped3A_371, %dma_wait3A_429] : memref<4x128xi32, #tpu.memory_space<vmem>> -> memref<1x128xi32, #tpu.memory_space<vmem>>
      %dma_wait3A_431 = tpu.memref_squeeze %dma_wait3A_430 : memref<1x128xi32, #tpu.memory_space<vmem>> -> memref<128xi32, #tpu.memory_space<vmem>>
      %dma_wait3A_432 = arith.constant 0 : i32
      %dma_wait3A_433 = tpu.memref_slice %arg15[%dma_wait3A_432] : memref<512xf32, #tpu.memory_space<vmem_shared>> -> memref<512xf32, #tpu.memory_space<vmem_shared>>
      tpu.wait_indirect_dma semaphore(%run_scoped3A_423 : memref<!tpu.dma_semaphore, #tpu.memory_space<semaphore_mem>>) src(%arg12 : memref<128xf32, #tpu.memory_space<vmem>>) dst(%dma_wait3A_433 : memref<512xf32, #tpu.memory_space<vmem_shared>>)
      tpu.yield
    }) : () -> ()
    %run_scoped3A_372 = arith.constant 2 : i32
    "tpu.region"() ({
      %run_scoped3A_423 = tpu.sem_alloc : memref<!tpu.dma_semaphore, #tpu.memory_space<semaphore_mem>>
      %dma_start3A_424 = arith.constant 0 : i32
      %dma_start3A_425 = tpu.memref_slice %arg10[%run_scoped3A_372, %dma_start3A_424] : memref<4x128xi32, #tpu.memory_space<vmem>> -> memref<1x128xi32, #tpu.memory_space<vmem>>
      %dma_start3A_426 = tpu.memref_squeeze %dma_start3A_425 : memref<1x128xi32, #tpu.memory_space<vmem>> -> memref<128xi32, #tpu.memory_space<vmem>>
      %dma_start3A_427 = arith.constant 0 : i32
      %dma_start3A_428 = tpu.memref_slice %arg15[%dma_start3A_427] : memref<512xf32, #tpu.memory_space<vmem_shared>> -> memref<512xf32, #tpu.memory_space<vmem_shared>>
      tpu.enqueue_indirect_dma source(%arg12 : memref<128xf32, #tpu.memory_space<vmem>>) target(%dma_start3A_428 : memref<512xf32, #tpu.memory_space<vmem_shared>>) offsets(%dma_start3A_426 : memref<128xi32, #tpu.memory_space<vmem>>) semaphore(%run_scoped3A_423 : memref<!tpu.dma_semaphore, #tpu.memory_space<semaphore_mem>>) {add = true}
      %dma_wait3A_429 = arith.constant 0 : i32
      %dma_wait3A_430 = tpu.memref_slice %arg10[%run_scoped3A_372, %dma_wait3A_429] : memref<4x128xi32, #tpu.memory_space<vmem>> -> memref<1x128xi32, #tpu.memory_space<vmem>>
      %dma_wait3A_431 = tpu.memref_squeeze %dma_wait3A_430 : memref<1x128xi32, #tpu.memory_space<vmem>> -> memref<128xi32, #tpu.memory_space<vmem>>
      %dma_wait3A_432 = arith.constant 0 : i32
      %dma_wait3A_433 = tpu.memref_slice %arg15[%dma_wait3A_432] : memref<512xf32, #tpu.memory_space<vmem_shared>> -> memref<512xf32, #tpu.memory_space<vmem_shared>>
      tpu.wait_indirect_dma semaphore(%run_scoped3A_423 : memref<!tpu.dma_semaphore, #tpu.memory_space<semaphore_mem>>) src(%arg12 : memref<128xf32, #tpu.memory_space<vmem>>) dst(%dma_wait3A_433 : memref<512xf32, #tpu.memory_space<vmem_shared>>)
      tpu.yield
    }) : () -> ()
    %run_scoped3A_373 = arith.constant 3 : i32
    "tpu.region"() ({
      %run_scoped3A_423 = tpu.sem_alloc : memref<!tpu.dma_semaphore, #tpu.memory_space<semaphore_mem>>
      %dma_start3A_424 = arith.constant 0 : i32
      %dma_start3A_425 = tpu.memref_slice %arg10[%run_scoped3A_373, %dma_start3A_424] : memref<4x128xi32, #tpu.memory_space<vmem>> -> memref<1x128xi32, #tpu.memory_space<vmem>>
      %dma_start3A_426 = tpu.memref_squeeze %dma_start3A_425 : memref<1x128xi32, #tpu.memory_space<vmem>> -> memref<128xi32, #tpu.memory_space<vmem>>
      %dma_start3A_427 = arith.constant 0 : i32
      %dma_start3A_428 = tpu.memref_slice %arg15[%dma_start3A_427] : memref<512xf32, #tpu.memory_space<vmem_shared>> -> memref<512xf32, #tpu.memory_space<vmem_shared>>
      tpu.enqueue_indirect_dma source(%arg12 : memref<128xf32, #tpu.memory_space<vmem>>) target(%dma_start3A_428 : memref<512xf32, #tpu.memory_space<vmem_shared>>) offsets(%dma_start3A_426 : memref<128xi32, #tpu.memory_space<vmem>>) semaphore(%run_scoped3A_423 : memref<!tpu.dma_semaphore, #tpu.memory_space<semaphore_mem>>) {add = true}
      %dma_wait3A_429 = arith.constant 0 : i32
      %dma_wait3A_430 = tpu.memref_slice %arg10[%run_scoped3A_373, %dma_wait3A_429] : memref<4x128xi32, #tpu.memory_space<vmem>> -> memref<1x128xi32, #tpu.memory_space<vmem>>
      %dma_wait3A_431 = tpu.memref_squeeze %dma_wait3A_430 : memref<1x128xi32, #tpu.memory_space<vmem>> -> memref<128xi32, #tpu.memory_space<vmem>>
      %dma_wait3A_432 = arith.constant 0 : i32
      %dma_wait3A_433 = tpu.memref_slice %arg15[%dma_wait3A_432] : memref<512xf32, #tpu.memory_space<vmem_shared>> -> memref<512xf32, #tpu.memory_space<vmem_shared>>
      tpu.wait_indirect_dma semaphore(%run_scoped3A_423 : memref<!tpu.dma_semaphore, #tpu.memory_space<semaphore_mem>>) src(%arg12 : memref<128xf32, #tpu.memory_space<vmem>>) dst(%dma_wait3A_433 : memref<512xf32, #tpu.memory_space<vmem_shared>>)
      tpu.yield
    }) : () -> ()
    %dma_wait3A_374 = arith.constant 0 : i32
    %dma_wait3A_375 = arith.constant 0 : i32
    %dma_wait3A_376 = arith.constant 0 : i32
    %dma_wait3A_377 = tpu.memref_slice %arg11[%dma_wait3A_375, %dma_wait3A_376] : memref<512x128xf32, #tpu.memory_space<vmem>> -> memref<128x128xf32, #tpu.memory_space<vmem>>
    %dma_wait3A_378 = arith.constant 0 : i32
    %dma_wait3A_379 = tpu.memref_slice %arg10[%dma_wait3A_374, %dma_wait3A_378] : memref<4x128xi32, #tpu.memory_space<vmem>> -> memref<1x128xi32, #tpu.memory_space<vmem>>
    %dma_wait3A_380 = tpu.memref_squeeze %dma_wait3A_379 : memref<1x128xi32, #tpu.memory_space<vmem>> -> memref<128xi32, #tpu.memory_space<vmem>>
    %dma_wait3A_381 = arith.constant 0 : i32
    %dma_wait3A_382 = arith.constant 0 : i32
    %dma_wait3A_383 = tpu.memref_slice %arg3[%dma_wait3A_381, %dma_wait3A_382] : memref<512x128xf32, #tpu.memory_space<hbm>> -> memref<512x128xf32, #tpu.memory_space<hbm>>
    tpu.wait_indirect_dma semaphore(%arg16 : memref<!tpu.dma_semaphore, #tpu.memory_space<semaphore_mem>>) src(%dma_wait3A_383 : memref<512x128xf32, #tpu.memory_space<hbm>>) dst(%dma_wait3A_377 : memref<128x128xf32, #tpu.memory_space<vmem>>)
    %dma_wait3A_384 = arith.constant 1 : i32
    %dma_wait3A_385 = arith.constant 128 : i32
    %dma_wait3A_386 = arith.constant 0 : i32
    %dma_wait3A_387 = tpu.memref_slice %arg11[%dma_wait3A_385, %dma_wait3A_386] : memref<512x128xf32, #tpu.memory_space<vmem>> -> memref<128x128xf32, #tpu.memory_space<vmem>>
    %dma_wait3A_388 = arith.constant 0 : i32
    %dma_wait3A_389 = tpu.memref_slice %arg10[%dma_wait3A_384, %dma_wait3A_388] : memref<4x128xi32, #tpu.memory_space<vmem>> -> memref<1x128xi32, #tpu.memory_space<vmem>>
    %dma_wait3A_390 = tpu.memref_squeeze %dma_wait3A_389 : memref<1x128xi32, #tpu.memory_space<vmem>> -> memref<128xi32, #tpu.memory_space<vmem>>
    %dma_wait3A_391 = arith.constant 0 : i32
    %dma_wait3A_392 = arith.constant 0 : i32
    %dma_wait3A_393 = tpu.memref_slice %arg3[%dma_wait3A_391, %dma_wait3A_392] : memref<512x128xf32, #tpu.memory_space<hbm>> -> memref<512x128xf32, #tpu.memory_space<hbm>>
    tpu.wait_indirect_dma semaphore(%arg16 : memref<!tpu.dma_semaphore, #tpu.memory_space<semaphore_mem>>) src(%dma_wait3A_393 : memref<512x128xf32, #tpu.memory_space<hbm>>) dst(%dma_wait3A_387 : memref<128x128xf32, #tpu.memory_space<vmem>>)
    %dma_wait3A_394 = arith.constant 2 : i32
    %dma_wait3A_395 = arith.constant 256 : i32
    %dma_wait3A_396 = arith.constant 0 : i32
    %dma_wait3A_397 = tpu.memref_slice %arg11[%dma_wait3A_395, %dma_wait3A_396] : memref<512x128xf32, #tpu.memory_space<vmem>> -> memref<128x128xf32, #tpu.memory_space<vmem>>
    %dma_wait3A_398 = arith.constant 0 : i32
    %dma_wait3A_399 = tpu.memref_slice %arg10[%dma_wait3A_394, %dma_wait3A_398] : memref<4x128xi32, #tpu.memory_space<vmem>> -> memref<1x128xi32, #tpu.memory_space<vmem>>
    %dma_wait3A_400 = tpu.memref_squeeze %dma_wait3A_399 : memref<1x128xi32, #tpu.memory_space<vmem>> -> memref<128xi32, #tpu.memory_space<vmem>>
    %dma_wait3A_401 = arith.constant 0 : i32
    %dma_wait3A_402 = arith.constant 0 : i32
    %dma_wait3A_403 = tpu.memref_slice %arg3[%dma_wait3A_401, %dma_wait3A_402] : memref<512x128xf32, #tpu.memory_space<hbm>> -> memref<512x128xf32, #tpu.memory_space<hbm>>
    tpu.wait_indirect_dma semaphore(%arg16 : memref<!tpu.dma_semaphore, #tpu.memory_space<semaphore_mem>>) src(%dma_wait3A_403 : memref<512x128xf32, #tpu.memory_space<hbm>>) dst(%dma_wait3A_397 : memref<128x128xf32, #tpu.memory_space<vmem>>)
    %dma_wait3A_404 = arith.constant 3 : i32
    %dma_wait3A_405 = arith.constant 384 : i32
    %dma_wait3A_406 = arith.constant 0 : i32
    %dma_wait3A_407 = tpu.memref_slice %arg11[%dma_wait3A_405, %dma_wait3A_406] : memref<512x128xf32, #tpu.memory_space<vmem>> -> memref<128x128xf32, #tpu.memory_space<vmem>>
    %dma_wait3A_408 = arith.constant 0 : i32
    %dma_wait3A_409 = tpu.memref_slice %arg10[%dma_wait3A_404, %dma_wait3A_408] : memref<4x128xi32, #tpu.memory_space<vmem>> -> memref<1x128xi32, #tpu.memory_space<vmem>>
    %dma_wait3A_410 = tpu.memref_squeeze %dma_wait3A_409 : memref<1x128xi32, #tpu.memory_space<vmem>> -> memref<128xi32, #tpu.memory_space<vmem>>
    %dma_wait3A_411 = arith.constant 0 : i32
    %dma_wait3A_412 = arith.constant 0 : i32
    %dma_wait3A_413 = tpu.memref_slice %arg3[%dma_wait3A_411, %dma_wait3A_412] : memref<512x128xf32, #tpu.memory_space<hbm>> -> memref<512x128xf32, #tpu.memory_space<hbm>>
    tpu.wait_indirect_dma semaphore(%arg16 : memref<!tpu.dma_semaphore, #tpu.memory_space<semaphore_mem>>) src(%dma_wait3A_413 : memref<512x128xf32, #tpu.memory_space<hbm>>) dst(%dma_wait3A_407 : memref<128x128xf32, #tpu.memory_space<vmem>>)
    "tpu.region"() ({
      %run_scoped3A_423 = tpu.sem_alloc : memref<!tpu.dma_semaphore, #tpu.memory_space<semaphore_mem>>
      %dma_start3A_424 = arith.constant 0 : i32
      %dma_start3A_425 = tpu.memref_slice %arg7[%mul3A_2, %dma_start3A_424] : memref<16384x128xf32, #tpu.memory_space<hbm>> -> memref<512x128xf32, #tpu.memory_space<hbm>>
      %dma_start3A_426 = arith.constant 0 : i32
      %dma_start3A_427 = tpu.memref_slice %arg7[%mul3A_2, %dma_start3A_426] : memref<16384x128xf32, #tpu.memory_space<hbm>> -> memref<512x128xf32, #tpu.memory_space<hbm>>
      tpu.enqueue_dma source(%arg11 : memref<512x128xf32, #tpu.memory_space<vmem>>) target(%dma_start3A_427 : memref<512x128xf32, #tpu.memory_space<hbm>>) target_semaphore(%run_scoped3A_423 : memref<!tpu.dma_semaphore, #tpu.memory_space<semaphore_mem>>)
      %dma_wait3A_428 = arith.constant 0 : i32
      %dma_wait3A_429 = tpu.memref_slice %arg7[%mul3A_2, %dma_wait3A_428] : memref<16384x128xf32, #tpu.memory_space<hbm>> -> memref<512x128xf32, #tpu.memory_space<hbm>>
      %dma_wait3A_430 = arith.constant 0 : i32
      %dma_wait3A_431 = tpu.memref_slice %arg7[%mul3A_2, %dma_wait3A_430] : memref<16384x128xf32, #tpu.memory_space<hbm>> -> memref<512x128xf32, #tpu.memory_space<hbm>>
      tpu.wait_dma2 semaphore(%run_scoped3A_423 : memref<!tpu.dma_semaphore, #tpu.memory_space<semaphore_mem>>) src(%arg11 : memref<512x128xf32, #tpu.memory_space<vmem>>) dst(%dma_wait3A_431 : memref<512x128xf32, #tpu.memory_space<hbm>>)
      tpu.yield
    }) : () -> ()
    %barrier3A_414 = arith.constant 0 : index
    tpu.barrier barrier_id(%barrier3A_414)
    %mul3A_415 = arith.constant 512 : i32
    %mul3A_416 = arith.muli %arg1, %mul3A_415 : i32
    "tpu.region"() ({
      %run_scoped3A_423 = tpu.sem_alloc : memref<!tpu.dma_semaphore, #tpu.memory_space<semaphore_mem>>
      %dma_start3A_424 = tpu.memref_slice %arg14[%mul3A_416] : memref<8192xf32, #tpu.memory_space<vmem_shared>> -> memref<512xf32, #tpu.memory_space<vmem_shared>>
      %dma_start3A_425 = tpu.memref_slice %arg14[%mul3A_416] : memref<8192xf32, #tpu.memory_space<vmem_shared>> -> memref<512xf32, #tpu.memory_space<vmem_shared>>
      tpu.enqueue_dma source(%dma_start3A_425 : memref<512xf32, #tpu.memory_space<vmem_shared>>) target(%arg13 : memref<512xf32, #tpu.memory_space<vmem>>) target_semaphore(%run_scoped3A_423 : memref<!tpu.dma_semaphore, #tpu.memory_space<semaphore_mem>>)
      %dma_wait3A_426 = tpu.memref_slice %arg14[%mul3A_416] : memref<8192xf32, #tpu.memory_space<vmem_shared>> -> memref<512xf32, #tpu.memory_space<vmem_shared>>
      %dma_wait3A_427 = tpu.memref_slice %arg14[%mul3A_416] : memref<8192xf32, #tpu.memory_space<vmem_shared>> -> memref<512xf32, #tpu.memory_space<vmem_shared>>
      tpu.wait_dma2 semaphore(%run_scoped3A_423 : memref<!tpu.dma_semaphore, #tpu.memory_space<semaphore_mem>>) src(%dma_wait3A_427 : memref<512xf32, #tpu.memory_space<vmem_shared>>) dst(%arg13 : memref<512xf32, #tpu.memory_space<vmem>>)
      tpu.yield
    }) : () -> ()
    %mul3A_417 = arith.constant 512 : i32
    %mul3A_418 = arith.muli %arg1, %mul3A_417 : i32
    "tpu.region"() ({
      %run_scoped3A_423 = tpu.sem_alloc : memref<!tpu.dma_semaphore, #tpu.memory_space<semaphore_mem>>
      %dma_start3A_424 = tpu.memref_slice %arg8[%arg0, %mul3A_418] : memref<2x8192xf32, #tpu.memory_space<hbm>> -> memref<1x512xf32, #tpu.memory_space<hbm>>
      %dma_start3A_425 = tpu.memref_squeeze %dma_start3A_424 : memref<1x512xf32, #tpu.memory_space<hbm>> -> memref<512xf32, #tpu.memory_space<hbm>>
      %dma_start3A_426 = tpu.memref_slice %arg8[%arg0, %mul3A_418] : memref<2x8192xf32, #tpu.memory_space<hbm>> -> memref<1x512xf32, #tpu.memory_space<hbm>>
      %dma_start3A_427 = tpu.memref_squeeze %dma_start3A_426 : memref<1x512xf32, #tpu.memory_space<hbm>> -> memref<512xf32, #tpu.memory_space<hbm>>
      tpu.enqueue_dma source(%arg13 : memref<512xf32, #tpu.memory_space<vmem>>) target(%dma_start3A_427 : memref<512xf32, #tpu.memory_space<hbm>>) target_semaphore(%run_scoped3A_423 : memref<!tpu.dma_semaphore, #tpu.memory_space<semaphore_mem>>)
      %dma_wait3A_428 = tpu.memref_slice %arg8[%arg0, %mul3A_418] : memref<2x8192xf32, #tpu.memory_space<hbm>> -> memref<1x512xf32, #tpu.memory_space<hbm>>
      %dma_wait3A_429 = tpu.memref_squeeze %dma_wait3A_428 : memref<1x512xf32, #tpu.memory_space<hbm>> -> memref<512xf32, #tpu.memory_space<hbm>>
      %dma_wait3A_430 = tpu.memref_slice %arg8[%arg0, %mul3A_418] : memref<2x8192xf32, #tpu.memory_space<hbm>> -> memref<1x512xf32, #tpu.memory_space<hbm>>
      %dma_wait3A_431 = tpu.memref_squeeze %dma_wait3A_430 : memref<1x512xf32, #tpu.memory_space<hbm>> -> memref<512xf32, #tpu.memory_space<hbm>>
      tpu.wait_dma2 semaphore(%run_scoped3A_423 : memref<!tpu.dma_semaphore, #tpu.memory_space<semaphore_mem>>) src(%arg13 : memref<512xf32, #tpu.memory_space<vmem>>) dst(%dma_wait3A_431 : memref<512xf32, #tpu.memory_space<hbm>>)
      tpu.yield
    }) : () -> ()
    %mul3A_419 = arith.constant 32 : i32
    %mul3A_420 = arith.muli %arg1, %mul3A_419 : i32
    "tpu.region"() ({
      %run_scoped3A_423 = tpu.sem_alloc : memref<!tpu.dma_semaphore, #tpu.memory_space<semaphore_mem>>
      %dma_start3A_424 = arith.constant 0 : i32
      %dma_start3A_425 = tpu.memref_slice %arg13[%dma_start3A_424] : memref<512xf32, #tpu.memory_space<vmem>> -> memref<32xf32, #tpu.memory_space<vmem>>
      %dma_start3A_426 = tpu.memref_slice %arg15[%mul3A_420] : memref<512xf32, #tpu.memory_space<vmem_shared>> -> memref<32xf32, #tpu.memory_space<vmem_shared>>
      %dma_start3A_427 = arith.constant 0 : i32
      %dma_start3A_428 = tpu.memref_slice %arg13[%dma_start3A_427] : memref<512xf32, #tpu.memory_space<vmem>> -> memref<32xf32, #tpu.memory_space<vmem>>
      %dma_start3A_429 = tpu.memref_slice %arg15[%mul3A_420] : memref<512xf32, #tpu.memory_space<vmem_shared>> -> memref<32xf32, #tpu.memory_space<vmem_shared>>
      tpu.enqueue_dma source(%dma_start3A_429 : memref<32xf32, #tpu.memory_space<vmem_shared>>) target(%dma_start3A_428 : memref<32xf32, #tpu.memory_space<vmem>>) target_semaphore(%run_scoped3A_423 : memref<!tpu.dma_semaphore, #tpu.memory_space<semaphore_mem>>)
      %dma_wait3A_430 = arith.constant 0 : i32
      %dma_wait3A_431 = tpu.memref_slice %arg13[%dma_wait3A_430] : memref<512xf32, #tpu.memory_space<vmem>> -> memref<32xf32, #tpu.memory_space<vmem>>
      %dma_wait3A_432 = tpu.memref_slice %arg15[%mul3A_420] : memref<512xf32, #tpu.memory_space<vmem_shared>> -> memref<32xf32, #tpu.memory_space<vmem_shared>>
      %dma_wait3A_433 = arith.constant 0 : i32
      %dma_wait3A_434 = tpu.memref_slice %arg13[%dma_wait3A_433] : memref<512xf32, #tpu.memory_space<vmem>> -> memref<32xf32, #tpu.memory_space<vmem>>
      %dma_wait3A_435 = tpu.memref_slice %arg15[%mul3A_420] : memref<512xf32, #tpu.memory_space<vmem_shared>> -> memref<32xf32, #tpu.memory_space<vmem_shared>>
      tpu.wait_dma2 semaphore(%run_scoped3A_423 : memref<!tpu.dma_semaphore, #tpu.memory_space<semaphore_mem>>) src(%dma_wait3A_435 : memref<32xf32, #tpu.memory_space<vmem_shared>>) dst(%dma_wait3A_434 : memref<32xf32, #tpu.memory_space<vmem>>)
      tpu.yield
    }) : () -> ()
    %mul3A_421 = arith.constant 32 : i32
    %mul3A_422 = arith.muli %arg1, %mul3A_421 : i32
    "tpu.region"() ({
      %run_scoped3A_423 = tpu.sem_alloc : memref<!tpu.dma_semaphore, #tpu.memory_space<semaphore_mem>>
      %dma_start3A_424 = arith.constant 0 : i32
      %dma_start3A_425 = tpu.memref_slice %arg13[%dma_start3A_424] : memref<512xf32, #tpu.memory_space<vmem>> -> memref<32xf32, #tpu.memory_space<vmem>>
      %dma_start3A_426 = tpu.memref_slice %arg9[%arg0, %mul3A_422] : memref<2x512xf32, #tpu.memory_space<hbm>> -> memref<1x32xf32, #tpu.memory_space<hbm>>
      %dma_start3A_427 = tpu.memref_squeeze %dma_start3A_426 : memref<1x32xf32, #tpu.memory_space<hbm>> -> memref<32xf32, #tpu.memory_space<hbm>>
      %dma_start3A_428 = tpu.memref_slice %arg9[%arg0, %mul3A_422] : memref<2x512xf32, #tpu.memory_space<hbm>> -> memref<1x32xf32, #tpu.memory_space<hbm>>
      %dma_start3A_429 = tpu.memref_squeeze %dma_start3A_428 : memref<1x32xf32, #tpu.memory_space<hbm>> -> memref<32xf32, #tpu.memory_space<hbm>>
      %dma_start3A_430 = arith.constant 0 : i32
      %dma_start3A_431 = tpu.memref_slice %arg13[%dma_start3A_430] : memref<512xf32, #tpu.memory_space<vmem>> -> memref<32xf32, #tpu.memory_space<vmem>>
      tpu.enqueue_dma source(%dma_start3A_431 : memref<32xf32, #tpu.memory_space<vmem>>) target(%dma_start3A_429 : memref<32xf32, #tpu.memory_space<hbm>>) target_semaphore(%run_scoped3A_423 : memref<!tpu.dma_semaphore, #tpu.memory_space<semaphore_mem>>)
      %dma_wait3A_432 = arith.constant 0 : i32
      %dma_wait3A_433 = tpu.memref_slice %arg13[%dma_wait3A_432] : memref<512xf32, #tpu.memory_space<vmem>> -> memref<32xf32, #tpu.memory_space<vmem>>
      %dma_wait3A_434 = tpu.memref_slice %arg9[%arg0, %mul3A_422] : memref<2x512xf32, #tpu.memory_space<hbm>> -> memref<1x32xf32, #tpu.memory_space<hbm>>
      %dma_wait3A_435 = tpu.memref_squeeze %dma_wait3A_434 : memref<1x32xf32, #tpu.memory_space<hbm>> -> memref<32xf32, #tpu.memory_space<hbm>>
      %dma_wait3A_436 = tpu.memref_slice %arg9[%arg0, %mul3A_422] : memref<2x512xf32, #tpu.memory_space<hbm>> -> memref<1x32xf32, #tpu.memory_space<hbm>>
      %dma_wait3A_437 = tpu.memref_squeeze %dma_wait3A_436 : memref<1x32xf32, #tpu.memory_space<hbm>> -> memref<32xf32, #tpu.memory_space<hbm>>
      %dma_wait3A_438 = arith.constant 0 : i32
      %dma_wait3A_439 = tpu.memref_slice %arg13[%dma_wait3A_438] : memref<512xf32, #tpu.memory_space<vmem>> -> memref<32xf32, #tpu.memory_space<vmem>>
      tpu.wait_dma2 semaphore(%run_scoped3A_423 : memref<!tpu.dma_semaphore, #tpu.memory_space<semaphore_mem>>) src(%dma_wait3A_439 : memref<32xf32, #tpu.memory_space<vmem>>) dst(%dma_wait3A_437 : memref<32xf32, #tpu.memory_space<hbm>>)
      tpu.yield
    }) : () -> ()
    return
  }
}

module attributes {stable_mosaic.version = 14 : i64} {
  func.func @_finalize_body(%arg0: i32, %arg1: memref<512x256xf32, #tpu.memory_space<vmem>>, %arg2: memref<512x128xf32, #tpu.memory_space<vmem>>, %arg3: memref<512x128xf32, #tpu.memory_space<vmem>>, %arg4: memref<2x8192xf32, #tpu.memory_space<vmem>>, %arg5: memref<2x512xf32, #tpu.memory_space<vmem>>, %arg6: memref<512x256xf32, #tpu.memory_space<vmem>>, %arg7: memref<1x1xf32, #tpu.memory_space<vmem>>, %arg8: memref<1x1xf32, #tpu.memory_space<vmem>>, %arg9: memref<1x1xf32, #tpu.memory_space<vmem>>, %arg10: memref<1xf32, #tpu.memory_space<smem>>) attributes {dimension_semantics = [#tpu.dimension_semantics<arbitrary>], iteration_bounds = array<i64: 32>, scalar_prefetch = 0 : i64, scratch_operands = 1 : i64, tpu.core_type = #tpu.core_type<tc>, window_params = [{transform_indices = @transform_0, window_bounds = array<i64: 512, 256>}, {transform_indices = @transform_1, window_bounds = array<i64: 512, 128>}, {transform_indices = @transform_2, window_bounds = array<i64: 512, 128>}, {pipeline_mode = #tpu.pipeline_mode<synchronous>, transform_indices = @transform_3, window_bounds = array<i64: 2, 8192>}, {pipeline_mode = #tpu.pipeline_mode<synchronous>, transform_indices = @transform_4, window_bounds = array<i64: 2, 512>}, {transform_indices = @transform_5, window_bounds = array<i64: 512, 256>}, {pipeline_mode = #tpu.pipeline_mode<synchronous>, transform_indices = @transform_6, window_bounds = array<i64: 1, 1>}, {pipeline_mode = #tpu.pipeline_mode<synchronous>, transform_indices = @transform_7, window_bounds = array<i64: 1, 1>}, {pipeline_mode = #tpu.pipeline_mode<synchronous>, transform_indices = @transform_8, window_bounds = array<i64: 1, 1>}]} {
    %get3A = arith.constant 0 : index
    %get3A_0 = arith.constant 0 : index
    %get3A_1 = vector.load %arg1[%get3A, %get3A_0] : memref<512x256xf32, #tpu.memory_space<vmem>>, vector<512x128xf32>
    %get3A_2 = arith.constant 0 : index
    %get3A_3 = arith.constant 128 : index
    %get3A_4 = vector.load %arg1[%get3A_2, %get3A_3] : memref<512x256xf32, #tpu.memory_space<vmem>>, vector<512x128xf32>
    %get3A_5 = arith.constant 0 : index
    %get3A_6 = arith.constant 0 : index
    %get3A_7 = vector.load %arg2[%get3A_5, %get3A_6] : memref<512x128xf32, #tpu.memory_space<vmem>>, vector<512x128xf32>
    %get3A_8 = arith.constant 0 : index
    %get3A_9 = arith.constant 0 : index
    %get3A_10 = vector.load %arg3[%get3A_8, %get3A_9] : memref<512x128xf32, #tpu.memory_space<vmem>>, vector<512x128xf32>
    %sub3A = arith.subf %get3A_7, %get3A_1 : vector<512x128xf32>
    %add3A = arith.addf %get3A_1, %sub3A : vector<512x128xf32>
    %sub3A_11 = arith.subf %get3A_10, %get3A_4 : vector<512x128xf32>
    %add3A_12 = arith.addf %get3A_4, %sub3A_11 : vector<512x128xf32>
    %concatenate3A = tpu.concatenate %add3A, %add3A_12 in 1 : vector<512x128xf32>, vector<512x128xf32> -> vector<512x256xf32>
    %swap3A = arith.constant 0 : index
    %swap3A_13 = arith.constant 0 : index
    %swap3A_14 = vector.load %arg6[%swap3A, %swap3A_13] : memref<512x256xf32, #tpu.memory_space<vmem>>, vector<512x256xf32>
    tpu.vector_store %arg6[%swap3A, %swap3A_13], %concatenate3A {strides = array<i32>} : memref<512x256xf32, #tpu.memory_space<vmem>>, vector<512x256xf32>,
    %sub3A_15 = arith.subf %get3A_7, %get3A_1 : vector<512x128xf32>
    %integer_pow3A = arith.mulf %sub3A_15, %sub3A_15 : vector<512x128xf32>
    %reduce_sum3A = vector.shape_cast %integer_pow3A : vector<512x128xf32> to vector<1x512x128xf32>
    %reduce_sum3A_16 = arith.constant dense<0.000000e+00> : vector<1xf32>
    %reduce_sum3A_17 = vector.multi_reduction <add>, %reduce_sum3A, %reduce_sum3A_16 [1, 2] : vector<1x512x128xf32> to vector<1xf32>
    %reduce_sum3A_18 = vector.shape_cast %reduce_sum3A_17 : vector<1xf32> to vector<1x1x1xf32>
    %reduce_sum3A_19 = vector.extract %reduce_sum3A_18[0, 0, 0] : f32 from vector<1x1x1xf32>
    %sub3A_20 = arith.subf %get3A_10, %get3A_4 : vector<512x128xf32>
    %integer_pow3A_21 = arith.mulf %sub3A_20, %sub3A_20 : vector<512x128xf32>
    %reduce_sum3A_22 = vector.shape_cast %integer_pow3A_21 : vector<512x128xf32> to vector<1x512x128xf32>
    %reduce_sum3A_23 = arith.constant dense<0.000000e+00> : vector<1xf32>
    %reduce_sum3A_24 = vector.multi_reduction <add>, %reduce_sum3A_22, %reduce_sum3A_23 [1, 2] : vector<1x512x128xf32> to vector<1xf32>
    %reduce_sum3A_25 = vector.shape_cast %reduce_sum3A_24 : vector<1xf32> to vector<1x1x1xf32>
    %reduce_sum3A_26 = vector.extract %reduce_sum3A_25[0, 0, 0] : f32 from vector<1x1x1xf32>
    %add3A_27 = arith.addf %reduce_sum3A_19, %reduce_sum3A_26 : f32
    %eq3A = arith.constant 0 : i32
    %eq3A_28 = arith.cmpi eq, %arg0, %eq3A : i32
    %convert_element_type3A = arith.extui %eq3A_28 : i1 to i32
    %cond3A = arith.constant 0 : i32
    %cond3A_29 = arith.cmpi ne, %convert_element_type3A, %cond3A : i32
    scf.if %cond3A_29 {
      %swap3A_39 = arith.constant 0 : index
      %swap3A_40 = memref.load %arg10[%swap3A_39] : memref<1xf32, #tpu.memory_space<smem>>
      memref.store %add3A_27, %arg10[%swap3A_39] : memref<1xf32, #tpu.memory_space<smem>>
    } else {
    }
    %gt3A = arith.constant 0 : i32
    %gt3A_30 = arith.cmpi sgt, %arg0, %gt3A : i32
    %convert_element_type3A_31 = arith.extui %gt3A_30 : i1 to i32
    %cond3A_32 = arith.constant 0 : i32
    %cond3A_33 = arith.cmpi ne, %convert_element_type3A_31, %cond3A_32 : i32
    scf.if %cond3A_33 {
      %get3A_39 = arith.constant 0 : index
      %get3A_40 = memref.load %arg10[%get3A_39] : memref<1xf32, #tpu.memory_space<smem>>
      %add3A_41 = arith.addf %get3A_40, %add3A_27 : f32
      %swap3A_42 = arith.constant 0 : index
      %swap3A_43 = memref.load %arg10[%swap3A_42] : memref<1xf32, #tpu.memory_space<smem>>
      memref.store %add3A_41, %arg10[%swap3A_42] : memref<1xf32, #tpu.memory_space<smem>>
    } else {
    }
    %eq3A_34 = arith.constant 31 : i32
    %eq3A_35 = arith.cmpi eq, %arg0, %eq3A_34 : i32
    %convert_element_type3A_36 = arith.extui %eq3A_35 : i1 to i32
    %cond3A_37 = arith.constant 0 : i32
    %cond3A_38 = arith.cmpi ne, %convert_element_type3A_36, %cond3A_37 : i32
    scf.if %cond3A_38 {
      %get3A_39 = arith.constant 0 : index
      %get3A_40 = memref.load %arg10[%get3A_39] : memref<1xf32, #tpu.memory_space<smem>>
      %div3A = arith.constant 0x4A800000 : f32
      %div3A_41 = arith.divf %get3A_40, %div3A : f32
      %mul3A = arith.constant 2.500000e-01 : f32
      %mul3A_42 = arith.mulf %mul3A, %div3A_41 : f32
      %add3A_43 = arith.addf %div3A_41, %mul3A_42 : f32
      %reshape3A = vector.broadcast %add3A_43 : f32 to vector<1x1xf32>
      %swap3A_44 = arith.constant 0 : index
      %swap3A_45 = arith.constant 0 : index
      %swap3A_46 = vector.load %arg7[%swap3A_44, %swap3A_45] : memref<1x1xf32, #tpu.memory_space<vmem>>, vector<1x1xf32>
      tpu.vector_store %arg7[%swap3A_44, %swap3A_45], %reshape3A {strides = array<i32>} : memref<1x1xf32, #tpu.memory_space<vmem>>, vector<1x1xf32>,
      %get3A_47 = arith.constant 0 : index
      %get3A_48 = arith.constant 0 : index
      %get3A_49 = vector.load %arg4[%get3A_47, %get3A_48] : memref<2x8192xf32, #tpu.memory_space<vmem>>, vector<2x8192xf32>
      %get3A_50 = arith.constant 0 : index
      %get3A_51 = arith.constant 0 : index
      %get3A_52 = vector.load %arg5[%get3A_50, %get3A_51] : memref<2x512xf32, #tpu.memory_space<vmem>>, vector<2x512xf32>
      %slice3A = vector.extract_strided_slice %get3A_49 {offsets = [0, 0], sizes = [1, 8192], strides = [1, 1]} : vector<2x8192xf32> to vector<1x8192xf32>
      %slice3A_53 = vector.extract_strided_slice %get3A_49 {offsets = [1, 0], sizes = [1, 8192], strides = [1, 1]} : vector<2x8192xf32> to vector<1x8192xf32>
      %add3A_54 = arith.addf %slice3A, %slice3A_53 : vector<1x8192xf32>
      %div3A_55 = arith.constant 1.638400e+04 : f32
      %div3A_56 = vector.broadcast %div3A_55 : f32 to vector<1x8192xf32>
      %div3A_57 = arith.divf %add3A_54, %div3A_56 : vector<1x8192xf32>
      %slice3A_58 = vector.extract_strided_slice %get3A_52 {offsets = [0, 0], sizes = [1, 512], strides = [1, 1]} : vector<2x512xf32> to vector<1x512xf32>
      %slice3A_59 = vector.extract_strided_slice %get3A_52 {offsets = [1, 0], sizes = [1, 512], strides = [1, 1]} : vector<2x512xf32> to vector<1x512xf32>
      %add3A_60 = arith.addf %slice3A_58, %slice3A_59 : vector<1x512xf32>
      %div3A_61 = arith.constant 1.638400e+04 : f32
      %div3A_62 = vector.broadcast %div3A_61 : f32 to vector<1x512xf32>
      %div3A_63 = arith.divf %add3A_60, %div3A_62 : vector<1x512xf32>
      %add3A_64 = arith.constant 1.000000e-10 : f32
      %add3A_65 = vector.broadcast %add3A_64 : f32 to vector<1x8192xf32>
      %add3A_66 = arith.addf %div3A_57, %add3A_65 : vector<1x8192xf32>
      %log3A = math.log %add3A_66 : vector<1x8192xf32>
      %mul3A_67 = arith.mulf %div3A_57, %log3A : vector<1x8192xf32>
      %reduce_sum3A_68 = arith.constant dense<0.000000e+00> : vector<1xf32>
      %reduce_sum3A_69 = vector.multi_reduction <add>, %mul3A_67, %reduce_sum3A_68 [1] : vector<1x8192xf32> to vector<1xf32>
      %broadcast_in_dim3A = vector.shape_cast %reduce_sum3A_69 : vector<1xf32> to vector<1x1xf32>
      %neg3A = arith.constant 0.000000e+00 : f32
      %neg3A_70 = vector.broadcast %neg3A : f32 to vector<1x1xf32>
      %neg3A_71 = arith.subf %neg3A_70, %broadcast_in_dim3A : vector<1x1xf32>
      %exp3A = math.exp %neg3A_71 : vector<1x1xf32>
      %swap3A_72 = arith.constant 0 : index
      %swap3A_73 = arith.constant 0 : index
      %swap3A_74 = vector.load %arg8[%swap3A_72, %swap3A_73] : memref<1x1xf32, #tpu.memory_space<vmem>>, vector<1x1xf32>
      tpu.vector_store %arg8[%swap3A_72, %swap3A_73], %exp3A {strides = array<i32>} : memref<1x1xf32, #tpu.memory_space<vmem>>, vector<1x1xf32>,
      %add3A_75 = arith.constant 1.000000e-10 : f32
      %add3A_76 = vector.broadcast %add3A_75 : f32 to vector<1x512xf32>
      %add3A_77 = arith.addf %div3A_63, %add3A_76 : vector<1x512xf32>
      %log3A_78 = math.log %add3A_77 : vector<1x512xf32>
      %mul3A_79 = arith.mulf %div3A_63, %log3A_78 : vector<1x512xf32>
      %reduce_sum3A_80 = arith.constant dense<0.000000e+00> : vector<1xf32>
      %reduce_sum3A_81 = vector.multi_reduction <add>, %mul3A_79, %reduce_sum3A_80 [1] : vector<1x512xf32> to vector<1xf32>
      %broadcast_in_dim3A_82 = vector.shape_cast %reduce_sum3A_81 : vector<1xf32> to vector<1x1xf32>
      %neg3A_83 = arith.constant 0.000000e+00 : f32
      %neg3A_84 = vector.broadcast %neg3A_83 : f32 to vector<1x1xf32>
      %neg3A_85 = arith.subf %neg3A_84, %broadcast_in_dim3A_82 : vector<1x1xf32>
      %exp3A_86 = math.exp %neg3A_85 : vector<1x1xf32>
      %swap3A_87 = arith.constant 0 : index
      %swap3A_88 = arith.constant 0 : index
      %swap3A_89 = vector.load %arg9[%swap3A_87, %swap3A_88] : memref<1x1xf32, #tpu.memory_space<vmem>>, vector<1x1xf32>
      tpu.vector_store %arg9[%swap3A_87, %swap3A_88], %exp3A_86 {strides = array<i32>} : memref<1x1xf32, #tpu.memory_space<vmem>>, vector<1x1xf32>,
    } else {
    }
    return
  }
  func.func @transform_0(%arg0: i32) -> (i32, i32) {
    %c0_i32 = arith.constant 0 : i32
    %c0_i32_0 = arith.constant 0 : i32
    return %arg0, %c0_i32 : i32, i32
  }
  func.func @transform_1(%arg0: i32) -> (i32, i32) {
    %c0_i32 = arith.constant 0 : i32
    %c0_i32_0 = arith.constant 0 : i32
    return %arg0, %c0_i32 : i32, i32
  }
  func.func @transform_2(%arg0: i32) -> (i32, i32) {
    %c0_i32 = arith.constant 0 : i32
    %c0_i32_0 = arith.constant 0 : i32
    return %arg0, %c0_i32 : i32, i32
  }
  func.func @transform_3(%arg0: i32) -> (i32, i32) {
    %c0_i32 = arith.constant 0 : i32
    %c0_i32_0 = arith.constant 0 : i32
    %c0_i32_1 = arith.constant 0 : i32
    return %c0_i32, %c0_i32_0 : i32, i32
  }
  func.func @transform_4(%arg0: i32) -> (i32, i32) {
    %c0_i32 = arith.constant 0 : i32
    %c0_i32_0 = arith.constant 0 : i32
    %c0_i32_1 = arith.constant 0 : i32
    return %c0_i32, %c0_i32_0 : i32, i32
  }
  func.func @transform_5(%arg0: i32) -> (i32, i32) {
    %c0_i32 = arith.constant 0 : i32
    %c0_i32_0 = arith.constant 0 : i32
    return %arg0, %c0_i32 : i32, i32
  }
  func.func @transform_6(%arg0: i32) -> (i32, i32) {
    %c0_i32 = arith.constant 0 : i32
    %c0_i32_0 = arith.constant 0 : i32
    %c0_i32_1 = arith.constant 0 : i32
    return %c0_i32, %c0_i32_0 : i32, i32
  }
  func.func @transform_7(%arg0: i32) -> (i32, i32) {
    %c0_i32 = arith.constant 0 : i32
    %c0_i32_0 = arith.constant 0 : i32
    %c0_i32_1 = arith.constant 0 : i32
    return %c0_i32, %c0_i32_0 : i32, i32
  }
  func.func @transform_8(%arg0: i32) -> (i32, i32) {
    %c0_i32 = arith.constant 0 : i32
    %c0_i32_0 = arith.constant 0 : i32
    %c0_i32_1 = arith.constant 0 : i32
    return %c0_i32, %c0_i32_0 : i32, i32
  }
}

module attributes {stable_mosaic.version = 14 : i64} {
  func.func @_argmin_body(%arg0: i32, %arg1: memref<512x256xf32, #tpu.memory_space<vmem>>, %arg2: memref<128x8192xf32, #tpu.memory_space<vmem>>, %arg3: memref<128x512xf32, #tpu.memory_space<vmem>>, %arg4: memref<512xi32, #tpu.memory_space<vmem>>, %arg5: memref<512xi32, #tpu.memory_space<vmem>>) attributes {dimension_semantics = [#tpu.dimension_semantics<arbitrary>], iteration_bounds = array<i64: 32>, scalar_prefetch = 0 : i64, scratch_operands = 0 : i64, tpu.core_type = #tpu.core_type<tc>, window_params = [{transform_indices = @transform_0, window_bounds = array<i64: 512, 256>}, {pipeline_mode = #tpu.pipeline_mode<synchronous>, transform_indices = @transform_1, window_bounds = array<i64: 128, 8192>}, {pipeline_mode = #tpu.pipeline_mode<synchronous>, transform_indices = @transform_2, window_bounds = array<i64: 128, 512>}, {transform_indices = @transform_3, window_bounds = array<i64: 512>}, {transform_indices = @transform_4, window_bounds = array<i64: 512>}]} {
    %get3A = arith.constant 0 : index
    %get3A_0 = arith.constant 0 : index
    %get3A_1 = vector.load %arg1[%get3A, %get3A_0] : memref<512x256xf32, #tpu.memory_space<vmem>>, vector<512x128xf32>
    %get3A_2 = arith.constant 0 : index
    %get3A_3 = arith.constant 128 : index
    %get3A_4 = vector.load %arg1[%get3A_2, %get3A_3] : memref<512x256xf32, #tpu.memory_space<vmem>>, vector<512x128xf32>
    %get3A_5 = arith.constant 0 : index
    %get3A_6 = arith.constant 0 : index
    %get3A_7 = vector.load %arg2[%get3A_5, %get3A_6] : memref<128x8192xf32, #tpu.memory_space<vmem>>, vector<128x8192xf32>
    %get3A_8 = arith.constant 0 : index
    %get3A_9 = arith.constant 0 : index
    %get3A_10 = vector.load %arg3[%get3A_8, %get3A_9] : memref<128x512xf32, #tpu.memory_space<vmem>>, vector<128x512xf32>
    %integer_pow3A = arith.mulf %get3A_1, %get3A_1 : vector<512x128xf32>
    %reduce_sum3A = arith.constant dense<0.000000e+00> : vector<512xf32>
    %reduce_sum3A_11 = vector.multi_reduction <add>, %integer_pow3A, %reduce_sum3A [1] : vector<512x128xf32> to vector<512xf32>
    %broadcast_in_dim3A = vector.shape_cast %reduce_sum3A_11 : vector<512xf32> to vector<512x1xf32>
    %integer_pow3A_12 = arith.mulf %get3A_4, %get3A_4 : vector<512x128xf32>
    %reduce_sum3A_13 = arith.constant dense<0.000000e+00> : vector<512xf32>
    %reduce_sum3A_14 = vector.multi_reduction <add>, %integer_pow3A_12, %reduce_sum3A_13 [1] : vector<512x128xf32> to vector<512xf32>
    %broadcast_in_dim3A_15 = vector.shape_cast %reduce_sum3A_14 : vector<512xf32> to vector<512x1xf32>
    %integer_pow3A_16 = arith.mulf %get3A_7, %get3A_7 : vector<128x8192xf32>
    %reduce_sum3A_17 = arith.constant dense<0.000000e+00> : vector<8192xf32>
    %reduce_sum3A_18 = vector.multi_reduction <add>, %integer_pow3A_16, %reduce_sum3A_17 [0] : vector<128x8192xf32> to vector<8192xf32>
    %broadcast_in_dim3A_19 = vector.shape_cast %reduce_sum3A_18 : vector<8192xf32> to vector<1x8192xf32>
    %integer_pow3A_20 = arith.mulf %get3A_10, %get3A_10 : vector<128x512xf32>
    %reduce_sum3A_21 = arith.constant dense<0.000000e+00> : vector<512xf32>
    %reduce_sum3A_22 = vector.multi_reduction <add>, %integer_pow3A_20, %reduce_sum3A_21 [0] : vector<128x512xf32> to vector<512xf32>
    %broadcast_in_dim3A_23 = vector.shape_cast %reduce_sum3A_22 : vector<512xf32> to vector<1x512xf32>
    %mul3A = arith.constant -2.000000e+00 : f32
    %mul3A_24 = vector.broadcast %mul3A : f32 to vector<512x128xf32>
    %mul3A_25 = arith.mulf %mul3A_24, %get3A_1 : vector<512x128xf32>
    %dot_general3A = arith.constant dense<0.000000e+00> : vector<512x8192xf32>
    %dot_general3A_26 = tpu.matmul %mul3A_25, %get3A_7, %dot_general3A {dimension_numbers = #tpu.dot_dimension_numbers<[1], [0], [0], [1], [0, 0, 1, 1], [], []>, transpose_lhs_hint = false} : vector<512x128xf32>, vector<128x8192xf32>, vector<512x8192xf32> -> vector<512x8192xf32>
    %mul3A_27 = arith.constant -2.000000e+00 : f32
    %mul3A_28 = vector.broadcast %mul3A_27 : f32 to vector<512x128xf32>
    %mul3A_29 = arith.mulf %mul3A_28, %get3A_4 : vector<512x128xf32>
    %dot_general3A_30 = arith.constant dense<0.000000e+00> : vector<512x512xf32>
    %dot_general3A_31 = tpu.matmul %mul3A_29, %get3A_10, %dot_general3A_30 {dimension_numbers = #tpu.dot_dimension_numbers<[1], [0], [0], [1], [0, 0, 1, 1], [], []>, transpose_lhs_hint = false} : vector<512x128xf32>, vector<128x512xf32>, vector<512x512xf32> -> vector<512x512xf32>
    %add3A = vector.broadcast %broadcast_in_dim3A : vector<512x1xf32> to vector<512x8192xf32>
    %add3A_32 = vector.broadcast %broadcast_in_dim3A_19 : vector<1x8192xf32> to vector<512x8192xf32>
    %add3A_33 = arith.addf %add3A, %add3A_32 : vector<512x8192xf32>
    %add3A_34 = arith.addf %add3A_33, %dot_general3A_26 : vector<512x8192xf32>
    %add3A_35 = vector.broadcast %broadcast_in_dim3A_15 : vector<512x1xf32> to vector<512x512xf32>
    %add3A_36 = vector.broadcast %broadcast_in_dim3A_23 : vector<1x512xf32> to vector<512x512xf32>
    %add3A_37 = arith.addf %add3A_35, %add3A_36 : vector<512x512xf32>
    %add3A_38 = arith.addf %add3A_37, %dot_general3A_31 : vector<512x512xf32>
    %iota3A = tpu.iota {dimensions = array<i32: 1>} : vector<512x8192xi32>
    %convert_element_type3A = arith.sitofp %iota3A : vector<512x8192xi32> to vector<512x8192xf32>
    %iota3A_39 = tpu.iota {dimensions = array<i32: 1>} : vector<512x512xi32>
    %convert_element_type3A_40 = arith.sitofp %iota3A_39 : vector<512x512xi32> to vector<512x512xf32>
    %reduce_min3A = arith.constant dense<0x7F800000> : vector<512xf32>
    %reduce_min3A_41 = vector.multi_reduction <minimumf>, %add3A_34, %reduce_min3A [1] : vector<512x8192xf32> to vector<512xf32>
    %broadcast_in_dim3A_42 = vector.shape_cast %reduce_min3A_41 : vector<512xf32> to vector<512x1xf32>
    %reduce_min3A_43 = arith.constant dense<0x7F800000> : vector<512xf32>
    %reduce_min3A_44 = vector.multi_reduction <minimumf>, %add3A_38, %reduce_min3A_43 [1] : vector<512x512xf32> to vector<512xf32>
    %broadcast_in_dim3A_45 = vector.shape_cast %reduce_min3A_44 : vector<512xf32> to vector<512x1xf32>
    %eq3A = vector.broadcast %broadcast_in_dim3A_42 : vector<512x1xf32> to vector<512x8192xf32>
    %eq3A_46 = arith.cmpf oeq, %add3A_34, %eq3A : vector<512x8192xf32>
    %jit3A = arith.constant 8.192000e+03 : f32
    %broadcast_in_dim3A_47 = vector.broadcast %jit3A : f32 to vector<512x8192xf32>
    %select_n3A = arith.select %eq3A_46, %convert_element_type3A, %broadcast_in_dim3A_47 : vector<512x8192xi1>, vector<512x8192xf32>
    %reduce_min3A_48 = arith.constant dense<0x7F800000> : vector<512xf32>
    %reduce_min3A_49 = vector.multi_reduction <minimumf>, %select_n3A, %reduce_min3A_48 [1] : vector<512x8192xf32> to vector<512xf32>
    %convert_element_type3A_50 = arith.fptosi %reduce_min3A_49 : vector<512xf32> to vector<512xi32>
    %swap3A = arith.constant 0 : index
    %swap3A_51 = vector.load %arg4[%swap3A] : memref<512xi32, #tpu.memory_space<vmem>>, vector<512xi32>
    tpu.vector_store %arg4[%swap3A], %convert_element_type3A_50 {strides = array<i32>} : memref<512xi32, #tpu.memory_space<vmem>>, vector<512xi32>,
    %eq3A_52 = vector.broadcast %broadcast_in_dim3A_45 : vector<512x1xf32> to vector<512x512xf32>
    %eq3A_53 = arith.cmpf oeq, %add3A_38, %eq3A_52 : vector<512x512xf32>
    %jit3A_54 = arith.constant 5.120000e+02 : f32
    %broadcast_in_dim3A_55 = vector.broadcast %jit3A_54 : f32 to vector<512x512xf32>
    %select_n3A_56 = arith.select %eq3A_53, %convert_element_type3A_40, %broadcast_in_dim3A_55 : vector<512x512xi1>, vector<512x512xf32>
    %reduce_min3A_57 = arith.constant dense<0x7F800000> : vector<512xf32>
    %reduce_min3A_58 = vector.multi_reduction <minimumf>, %select_n3A_56, %reduce_min3A_57 [1] : vector<512x512xf32> to vector<512xf32>
    %convert_element_type3A_59 = arith.fptosi %reduce_min3A_58 : vector<512xf32> to vector<512xi32>
    %swap3A_60 = arith.constant 0 : index
    %swap3A_61 = vector.load %arg5[%swap3A_60] : memref<512xi32, #tpu.memory_space<vmem>>, vector<512xi32>
    tpu.vector_store %arg5[%swap3A_60], %convert_element_type3A_59 {strides = array<i32>} : memref<512xi32, #tpu.memory_space<vmem>>, vector<512xi32>,
    return
  }
  func.func @transform_0(%arg0: i32) -> (i32, i32) {
    %c0_i32 = arith.constant 0 : i32
    %c0_i32_0 = arith.constant 0 : i32
    return %arg0, %c0_i32 : i32, i32
  }
  func.func @transform_1(%arg0: i32) -> (i32, i32) {
    %c0_i32 = arith.constant 0 : i32
    %c0_i32_0 = arith.constant 0 : i32
    %c0_i32_1 = arith.constant 0 : i32
    return %c0_i32, %c0_i32_0 : i32, i32
  }
  func.func @transform_2(%arg0: i32) -> (i32, i32) {
    %c0_i32 = arith.constant 0 : i32
    %c0_i32_0 = arith.constant 0 : i32
    %c0_i32_1 = arith.constant 0 : i32
    return %c0_i32, %c0_i32_0 : i32, i32
  }
  func.func @transform_3(%arg0: i32) -> i32 {
    %c0_i32 = arith.constant 0 : i32
    return %arg0 : i32
  }
  func.func @transform_4(%arg0: i32) -> i32 {
    %c0_i32 = arith.constant 0 : i32
    return %arg0 : i32
  }
}

</mosaic_0001>

<sc_bundles>
// kernel: kernel.5.cloned.1.call-start
scs
__scs_entry_jumppad:
0x0: {  	(pc) =	sbr.rel $0x88, $3  }
0x1: {  	(tag) =	ssettag $0x0;
	lr =	simm.s32 $0x1  }
0x2: {  	[smem:$0x3F9E] =	sst lr;
	_ =	strace $0xD0000000  }
0x3: {  	_ = 	snop  }
0x4: {  	_ = 	snop  }
0x5: {  	_ = 	snop  }
0x6: {  	_ = 	snop  }
0x7: {  	_ = 	snop  }
__scs_overlays_trampoline_lowered:
0x8: {  	[smem:$0x3FAD] =	sst s0  }
0x9: {  	[smem:$0x3FAE] =	sst s1  }
0xa: {  	[smem:$0x3FAF] =	sst s2  }
0xb: {  	[smem:$0x3FB0] =	sst s3  }
0xc: {  	[smem:$0x3FB1] =	sst s4  }
0xd: {  	[smem:$0x3FB2] =	sst s5  }
0xe: {  	[smem:$0x3FB3] =	sst s6  }
0xf: {  	[smem:$0x3FB4] =	sst s7  }
0x10: {  	[smem:$0x3FB5] =	sst s8  }
0x11: {  	[smem:$0x3FB6] =	sst s9;
	s0 =	simm.s32 @!p0 $0x0  }
0x12: {  	s1 =	sld [smem:$0x3F9C];
	s0 =	simm.s32 @p0 $0x1  }
0x13: {  	[smem:$0x3FB7] =	sst s0;
	s0 =	simm.s32 @!p1 $0x0  }
0x14: {  	s2 =	sld [smem:$0x3F9B];
	s0 =	simm.s32 @p1 $0x1  }
0x15: {  	[smem:$0x3FB8] =	sst s0;
	s0 =	simm.s32 @!p2 $0x0  }
0x16: {  	s3 =	sld [smem:$0x3FDB];
	s0 =	simm.s32 @p2 $0x1  }
0x17: {  	s4 =	simm.s32 $0x1BF5;
	[smem:$0x3FBA] =	sst s0  }
0x18: {  	s0 =	sld [smem:$0x3F9D];
	_ =	swait.ge [sflag:s4], $0x0  }
0x19: {  	s7 =	sld [smem:$0x3F9E]  }
0x1a: {  	s8 =	sadd.s32 $0xFFFFE003, lr  }
0x1b: {  	s9 =	sadd.s32 $0xFFFFFEF7, lr;
	s5 =	simm.s32 $0xFFFFFFFF;
	p2 =	slt.u32 s8, $0xFFFFF086  }
0x1c: {  	p1 =	slt.u32 s9, $0xF7A;
	s5 =	simm.s32 @!p2 $0x0  }
0x1d: {  	s5 =	simm.s32 @p1 $0x1;
	p0 =	seq.s32 s7, s2  }
0x1e: {  	s7 =	smul.u32 @!p0 $0xF7A, s2;
	p2 =	seq.s32 @!p0 s5, $0x0  }
0x1f: {  	s9 =	smul.u32 $0xF7A, s1;
	s8 =	simm.s32 @!p0 $0x1BF5;
	p2 =	por !p2, p0  }
0x20: {  	[sflag:s8] =	ssyncset.s32 @!p0 $0xFFFFF086;
	s6 =	sadd.s32 @!p0 s3, s7;
	s7 =	simm.s32 @!p0 $0x108  }
0x21: {  	s3 =	sadd.s32 s3, s9;
	s6 =	sadd.s32 @!p0 $0x88, s6;
	s7 =	simm.s32 @p2 $0x1082  }
0x22: {  	[simem:s7], [sflag:s8] =	dma.local @!p0 [hbm:s6], $0xF7A  }
0x23: {  	s9 =	sor.u32 $0xD0000000, s2;
	s6 =	simm.s32 $0x108;
	_ =	swait.ge @!p0 [sflag:s8], $0x0  }
0x24: {  	s3 =	sadd.s32 $0x88, s3;
	s6 =	simm.s32 @!p1 $0x1082;
	[sflag:s4] =	ssyncset.s32 $0xFFFFF086  }
0x25: {  	[simem:s6], [sflag:s4] =	dma.local [hbm:s3], $0xF7A  }
0x26: {  	[smem:$0x3F9E] =	sst s1;
	(tag) =	ssettag s2;
	_ =	strace s9  }
0x27: {  	s1 =	sld [smem:$0x3FAE]  }
0x28: {  	s2 =	sld [smem:$0x3FAF]  }
0x29: {  	s4 =	sld [smem:$0x3FB1]  }
0x2a: {  	p0 =	seq.s32 s5, $0x0;
	s5 =	sld [smem:$0x3FB2]  }
0x2b: {  	s6 =	sld [smem:$0x3FB3]  }
0x2c: {  	s7 =	sld [smem:$0x3FB4]  }
0x2d: {  	s3 =	simm.s32 $0x108;
	s8 =	sld [smem:$0x3FB5]  }
0x2e: {  	s3 =	simm.s32 @!p0 $0x1082;
	s9 =	sld [smem:$0x3FB6]  }
0x2f: {  	lr =	sadd.s32 s0, s3;
	s0 =	sld [smem:$0x3FAD]  }
0x30: {  	s3 =	sld [smem:$0x3FB0]  }
0x31: {  	[smem:$0x3FB9] =	sst s10  }
0x32: {  	s10 =	sld [smem:$0x3FB7];
	_ =	sdelay $0x3  }
0x33: {  	p0 =	seq.s32 s10, $0x1;
	s10 =	sld [smem:$0x3FB9];
	_ =	sdelay $0x3  }
0x34: {  	[smem:$0x3FB9] =	sst s10  }
0x35: {  	s10 =	sld [smem:$0x3FB8];
	_ =	sdelay $0x3  }
0x36: {  	p1 =	seq.s32 s10, $0x1;
	s10 =	sld [smem:$0x3FB9];
	_ =	sdelay $0x3  }
0x37: {  	[smem:$0x3FB9] =	sst s10  }
0x38: {  	s10 =	sld [smem:$0x3FBA]  }
0x39: {  	_ = 	snop;
	(pc) =	sbr.ind lr, $3  }
0x3a: {  	_ = 	snop  }
0x3b: {  	_ = 	snop  }
0x3c: {  	p2 =	seq.s32 s10, $0x1;
	s10 =	sld [smem:$0x3FB9]  }
0x3d: {  	_ =	shalt  }
0x3e: {  	_ =	shalt  }
0x3f: {  	_ =	shalt  }
0x40: {  	_ =	shalt  }
0x41: {  	_ =	shalt  }
0x42: {  	_ =	shalt  }
0x43: {  	_ =	shalt  }
0x44: {  	_ =	shalt  }
0x45: {  	_ =	shalt  }
0x46: {  	_ =	shalt  }
0x47: {  	_ =	shalt  }
0x48: {  	_ =	shalt  }
0x49: {  	_ =	shalt  }
0x4a: {  	_ =	shalt  }
0x4b: {  	_ =	shalt  }
0x4c: {  	_ =	shalt  }
0x4d: {  	_ =	shalt  }
0x4e: {  	_ =	shalt  }
0x4f: {  	_ =	shalt  }
0x50: {  	_ =	shalt  }
0x51: {  	_ =	shalt  }
0x52: {  	_ =	shalt  }
0x53: {  	_ =	shalt  }
0x54: {  	_ =	shalt  }
0x55: {  	_ =	shalt  }
0x56: {  	_ =	shalt  }
0x57: {  	_ =	shalt  }
0x58: {  	_ =	shalt  }
0x59: {  	_ =	shalt  }
0x5a: {  	_ =	shalt  }
0x5b: {  	_ =	shalt  }
0x5c: {  	_ =	shalt  }
0x5d: {  	_ =	shalt  }
0x5e: {  	_ =	shalt  }
0x5f: {  	_ =	shalt  }
0x60: {  	_ =	shalt  }
0x61: {  	_ =	shalt  }
0x62: {  	_ =	shalt  }
0x63: {  	_ =	shalt  }
0x64: {  	_ =	shalt  }
0x65: {  	_ =	shalt  }
0x66: {  	_ =	shalt  }
0x67: {  	_ =	shalt  }
0x68: {  	_ =	shalt  }
0x69: {  	_ =	shalt  }
0x6a: {  	_ =	shalt  }
0x6b: {  	_ =	shalt  }
0x6c: {  	_ =	shalt  }
0x6d: {  	_ =	shalt  }
0x6e: {  	_ =	shalt  }
0x6f: {  	_ =	shalt  }
0x70: {  	_ =	shalt  }
0x71: {  	_ =	shalt  }
0x72: {  	_ =	shalt  }
0x73: {  	_ =	shalt  }
0x74: {  	_ =	shalt  }
0x75: {  	_ =	shalt  }
0x76: {  	_ =	shalt  }
0x77: {  	_ =	shalt  }
0x78: {  	_ =	shalt  }
0x79: {  	_ =	shalt  }
0x7a: {  	_ =	shalt  }
0x7b: {  	_ =	shalt  }
0x7c: {  	_ =	shalt  }
0x7d: {  	_ =	shalt  }
0x7e: {  	_ =	shalt  }
0x7f: {  	_ =	shalt  }
0x80: {  	_ =	shalt  }
0x81: {  	_ =	shalt  }
0x82: {  	_ =	shalt  }
0x83: {  	_ =	shalt  }
0x84: {  	_ =	shalt  }
0x85: {  	_ =	shalt  }
0x86: {  	_ =	shalt  }
0x87: {  	_ =	shalt  }
.Lfunc_end0:
.L_simem_size_0:
called_computation_lowered:
.L_overlay_start_0:
0x88: {  	s2 =	sld [smem:$0x3FD9]  }
0x89: {  	s3 =	sld [smem:$0x3FFE];
	_ =	sdelay $0x1  }
0x8a: {  	s1 =	srdreg.scid  }
0x8b: {  	s0 =	sand.u32 $0x1, s1  }
0x8c: {  	s14 =	sshll.u32 s0, $0xA;
	s2 =	sadd.s32 s3, s2  }
0x8d: {  	s2 =	sadd.s32 s2, s14  }
0x8e: {  	[smem:$0x3FC5] =	sst s2  }
0x8f: {  	_ = 	snop  }
0x90: {  	s2 =	sld [smem:$0x3FD0];
	_ =	sdelay $0x1  }
0x91: {  	s15 =	sld [smem:$0x3FC8]  }
0x92: {  	s5 =	simm.s32 $0xA;
	s6 =	simm.s32 $0x10;
	s4 =	sld [smem:$0x3FC7]  }
0x93: {  	[smem:s6], [sflag:s5] =	dma.local [hbm:s2], $0x1  }
0x94: {  	_ =	swait.eq [sflag:s5], $0x1  }
0x95: {  	[sflag:s5] =	ssyncset.done $0x0  }
0x96: {  	[sflag:s5] =	ssyncadd.s32 $0xFFFFFFFF  }
0x97: {  	s16 =	sld [smem:$0x10];
	(tm) =	ssettm $0x1  }
0x98: {  	s17 =	sld [smem:$0x3FFB];
	_ =	sdelay $0x3  }
0x99: {  	_ =	strace s17  }
0x9a: {  	s5 =	sld [smem:$0x3FFC];
	_ =	sdelay $0x3  }
0x9b: {  	_ =	strace s5  }
0x9c: {  	s5 =	sld [smem:$0x3FFD];
	_ =	sdelay $0x3  }
0x9d: {  	_ =	strace s5  }
0x9e: {  	_ =	strace $0x8FFFFFFF  }
0x9f: {  	s18 =	sld [smem:$0x3FDB];
	_ =	sdelay $0x1  }
0xa0: {  	s19 =	simm.s32 $_scs_section_size  }
0xa1: {  	s7 =	simm.s32 $_size__tile_overlayer_lowered;
	s8 =	simm.s32 $_tile_overlayer_lowered  }
0xa2: {  	s22 =	simm.s32 $0x1BFF;
	s21 =	sshll.u32 s8, $0x1;
	s5 =	sadd.s32 s19, s18  }
0xa3: {  	s9 =	simm.s32 $0x0;
	s20 =	sshll.u32 s7, $0x1;
	s7 =	sadd.s32 s21, s5  }
0xa4: {  	[timem:s9], [sflag:s22] =	dma.local [hbm:s7], s20  }
0xa5: {  	_ =	swait.ge [sflag:s22], s20  }
0xa6: {  	s6 =	ssub.s32 $0x0, s20;
	[sflag:s22] =	ssyncset.done $0x0  }
0xa7: {  	[sflag:s22] =	ssyncadd.s32 s6;
	_ =	sdelay $0x1  }
0xa8: {  	s23 =	simm.s32 $0x1B8B  }
0xa9: {  	_ =	swait.ge [sflag:s23], $0x1  }
0xaa: {  	[sflag:s23] =	ssyncset.done $0x0  }
0xab: {  	s25 =	simm.s32 $0x1B8E;
	s24 =	sld [smem:$0x3FFE];
	[sflag:s23] =	ssyncadd.s32 $0xFFFFFFFF  }
0xac: {  	s26 =	simm.s32 $execute0_lowered;
	[smem:$0x3FD2] =	sst s25  }
0xad: {  	s7 =	sshll.u32 s26, $0x1;
	_ =	strace $0x80000046;
	[dreg:$0x1] =	wrdreg $0xFFFFFFFF  }
0xae: {  	s28 =	simm.s32 $_size_execute0_lowered;
	s5 =	sadd.s32 s5, s7;
	[dreg:$0x0] =	wrdreg $0x0  }
0xaf: {  	s7 =	sshll.u32 s28, $0x1;
	[dreg:$0x2] =	wrdreg s5  }
0xb0: {  	[dreg:$0x3] =	wrdreg s7  }
0xb1: {  	[dreg:$0x4] =	wrdreg $0xC0  }
0xb2: {  	_ =	task [dreg:s9], $0x5FFFF  }
0xb3: {  	[dreg:$0x1] =	wrdreg $0xFFFFFFFF  }
0xb4: {  	[dreg:$0x0] =	wrdreg $0x60  }
0xb5: {  	[dreg:$0x2] =	wrdreg s15  }
0xb6: {  	[dreg:$0x3] =	wrdreg s4  }
0xb7: {  	[dreg:$0x4] =	wrdreg s24  }
0xb8: {  	[dreg:$0x5] =	wrdreg s16  }
0xb9: {  	[dreg:$0x6] =	wrdreg $0x104800  }
0xba: {  	[dreg:$0x7] =	wrdreg $0x106800  }
0xbb: {  	[dreg:$0x8] =	wrdreg $0x9  }
0xbc: {  	_ =	task.clear_ibuf [dreg:s9], $0x9FFFF;
	_ =	strace $0x90000046  }
0xbd: {  	s29 =	simm.s32 $0x9;
	_ =	strace $0x80000048  }
0xbe: {  	_ =	swait.ge [sflag:s29], $0x1  }
0xbf: {  	[sflag:s29] =	ssyncadd.s32 $0xFFFFFFFF  }
0xc0: {  	_ =	strace $0x90000048  }
0xc1: {  	_ =	sfence  }
0xc2: {  	s30 =	sld [smem:$0x0];
	_ =	sdelay $0x2  }
0xc3: {  	s31 =	sshll.u32 s1, $0xD;
	s1 =	sshrl.u32 s1, $0x2  }
0xc4: {  	s3 =	sand.u32 $0x4000, s31;
	s1 =	sadd.s32 s1, s30  }
0xc5: {  	s0 =	sor.u32 s3, s0;
	s1 =	sshll.u32 s1, $0x11  }
0xc6: {  	s0 =	sor.u32 s1, s0  }
0xc7: {  	s0 =	sadd.s32 $0x8F2B, s0  }
0xc8: {  	[sflag:s0] =	ssyncadd.remote.s32 $0x1  }
0xc9: {  	_ =	sfence.sel $0xFFFF  }
0xca: {  	[dreg:$0x0] =	wrdreg $0xFFFFFFFF;
	(pc) =	sbr.abs _section_cstart, $3  }
0xcb: {  	[dreg:$0x1] =	wrdreg $0xFFFFFFFF  }
0xcc: {  	_ =	task.clear_ibuf [dreg:s9], $0x2FFFF;
	_ =	strace $0x9FFFFFFF  }
0xcd: {  	(tm) =	ssettm $0x7FFFFFFF  }
tec
execute0_lowered:
.L_overlay_start_1:
0x0: {  	(tag) =	ssettag $0x1  }
0x1: {  	s1 =	rddreg [dreg:$0x0]  }
0x2: {  	s2 =	rddreg [dreg:$0x1]  }
0x3: {  	s25 =	rddreg [dreg:$0x2]  }
0x4: {  	s21 =	rddreg [dreg:$0x3]  }
0x5: {  	s3 =	rddreg [dreg:$0x4]  }
0x6: {  	s4 =	rddreg [dreg:$0x5];
	s5 =	simm.s32 $0x0  }
0x7: {  	v0 =	vimm.f32 $1.000000000e+00;
	[smem:$0x7FF] =	sst s5  }
0x8: {  	s0 =	rddreg [dreg:$0x6];
	_ =	strace $0x80000047;
	[tilespmem:$0x10220] =	vst v0  }
0x9: {  	[tilespmem:$0x10230] =	vst v0  }
0xa: {  	[tilespmem:$0x10240] =	vst v0  }
0xb: {  	[tilespmem:$0x10250] =	vst v0  }
0xc: {  	[tilespmem:$0x10260] =	vst v0  }
0xd: {  	v1 =	vimm.f32 $0.0e+00;
	[tilespmem:$0x10270] =	vst v0  }
0xe: {  	[tilespmem:$0x10280] =	vst v1  }
0xf: {  	[tilespmem:$0x10290] =	vst v1  }
0x10: {  	[tilespmem:$0x102A0] =	vst v1  }
0x11: {  	[tilespmem:$0x102B0] =	vst v1  }
0x12: {  	[tilespmem:$0x102C0] =	vst v1  }
0x13: {  	[tilespmem:$0x102D0] =	vst v1  }
0x14: {  	[tilespmem:$0x102E0] =	vst v1  }
0x15: {  	[tilespmem:$0x102F0] =	vst v1  }
0x16: {  	[tilespmem:$0x10300] =	vst v1  }
0x17: {  	[tilespmem:$0x10310] =	vst v1  }
0x18: {  	[tilespmem:$0x10320] =	vst v1  }
0x19: {  	[tilespmem:$0x10330] =	vst v1  }
0x1a: {  	[tilespmem:$0x10200] =	vst v0  }
0x1b: {  	[tilespmem:$0x10470] =	vst v1  }
0x1c: {  	[tilespmem:$0x10460] =	vst v1  }
0x1d: {  	[tilespmem:$0x10450] =	vst v1  }
0x1e: {  	[tilespmem:$0x10440] =	vst v1  }
0x1f: {  	[tilespmem:$0x10430] =	vst v1  }
0x20: {  	[tilespmem:$0x10420] =	vst v1  }
0x21: {  	[tilespmem:$0x10410] =	vst v1  }
0x22: {  	[tilespmem:$0x10400] =	vst v1  }
0x23: {  	[tilespmem:$0x103F0] =	vst v1  }
0x24: {  	[tilespmem:$0x103E0] =	vst v1  }
0x25: {  	[tilespmem:$0x103D0] =	vst v1  }
0x26: {  	[tilespmem:$0x103C0] =	vst v1  }
0x27: {  	[tilespmem:$0x103B0] =	vst v1  }
0x28: {  	[tilespmem:$0x103A0] =	vst v1  }
0x29: {  	[tilespmem:$0x10390] =	vst v1  }
0x2a: {  	[tilespmem:$0x10380] =	vst v1  }
0x2b: {  	[tilespmem:$0x10370] =	vst v1  }
0x2c: {  	[tilespmem:$0x10360] =	vst v1  }
0x2d: {  	s6 =	stileid.u32;
	[tilespmem:$0x10350] =	vst v1  }
0x2e: {  	s7 =	sshll.u32 s6, $0x9;
	[tilespmem:$0x10340] =	vst v1  }
0x2f: {  	s9 =	simm.s32 $0x10280;
	s8 =	simm.s32 $0x2;
	s7 =	sadd.s32 s7, s3;
	[tilespmem:$0x10210] =	vst v0  }
0x30: {  	[spmem:s7] =	stream.linear.scatter [tilespmem:s9], [sflag:$0x2], $0x200, $0x38;
	[tilespmem:$0x106A0] =	vst v63  }
0x31: {  	_ =	swait.ge [sflag:s8], $0x200  }
0x32: {  	s10 =	srdreg.scid;
	s28 =	sshll.u32 s6, $0x5;
	[sflag:s8] =	ssyncset.done $0x0  }
0x33: {  	s26 =	sand.u32 $0x1, s10;
	s10 =	sadd.s32 s28, s4;
	[sflag:s8] =	ssyncadd.s32 $0xFFFFFE00  }
0x34: {  	[spmem:s10] =	stream.linear.scatter [tilespmem:s9], [sflag:$0x2], $0x20, $0x38;
	[tilespmem:$0x106A0] =	vst v63  }
0x35: {  	s11 =	sshll.u32 s6, $0x7;
	s12 =	sshll.u32 s26, $0x6;
	_ =	swait.ge [sflag:s8], $0x20  }
0x36: {  	s11 =	sor.u32 s12, s11;
	[sflag:s8] =	ssyncset.done $0x0  }
0x37: {  	s22 =	sadd.s32 s11, s25;
	[sflag:s8] =	ssyncadd.s32 $0xFFFFFFE0  }
0x38: {  	s11 =	sadd.s32 $0x1A00, s22;
	[bflag:$0x0] =	sbarrier.arrive $0xFFFF  }
0x39: {  	[tilespmem:s5], [sflag:$0x2] =	stream.linear.gather [hbm4b:s11+s5], $0x200, $0x38;
	[tilespmem:$0x106A0] =	vst v63  }
0x3a: {  	_ =	swait.ge [sflag:s8], $0x200  }
0x3b: {  	[sflag:s8] =	ssyncset.done $0x0  }
0x3c: {  	s13 =	simm.s32 $0x200;
	s12 =	simm.s32 $0x80;
	[sflag:s8] =	ssyncadd.s32 $0xFFFFFE00  }
0x3d: {  	[tilespmem:s13], [sflag:$0x1] =	stream.indirect.gather [hbm4b:s1+s12], $0x80, s5, s12, $0xb8;
	[tilespmem:$0x106A0] =	vst v63  }
0x3e: {  	s14 =	simm.s32 $0x4200  }
0x3f: {  	[tilespmem:s14], [sflag:$0x1] =	stream.indirect.gather [hbm4b:s1+s12], $0x80, s12, s12, $0xb8;
	[tilespmem:$0x106A0] =	vst v63  }
0x40: {  	s15 =	simm.s32 $0x100;
	s16 =	simm.s32 $0x8200  }
0x41: {  	[tilespmem:s16], [sflag:$0x1] =	stream.indirect.gather [hbm4b:s1+s12], $0x80, s15, s12, $0xb8;
	[tilespmem:$0x106A0] =	vst v63  }
0x42: {  	s17 =	simm.s32 $0x180;
	s18 =	simm.s32 $0xC200  }
0x43: {  	[tilespmem:s18], [sflag:$0x1] =	stream.indirect.gather [hbm4b:s1+s12], $0x80, s17, s12, $0xb8;
	[tilespmem:$0x106A0] =	vst v63  }
0x44: {  	s19 =	simm.s32 $0x10200  }
0x45: {  	[spmem:s3] =	stream.indirect.scatter.add.f32 [tilespmem:s19], [sflag:$0x2], $0x1, s5, s12, $0xb8;
	[tilespmem:$0x106A0] =	vst v63  }
0x46: {  	_ =	swait.ge [sflag:s8], $0x80  }
0x47: {  	[sflag:s8] =	ssyncset.done $0x0  }
0x48: {  	[sflag:s8] =	ssyncadd.s32 $0xFFFFFF80  }
0x49: {  	[spmem:s3] =	stream.indirect.scatter.add.f32 [tilespmem:s19], [sflag:$0x2], $0x1, s12, s12, $0xb8;
	[tilespmem:$0x106A0] =	vst v63  }
0x4a: {  	_ =	swait.ge [sflag:s8], $0x80  }
0x4b: {  	[sflag:s8] =	ssyncset.done $0x0  }
0x4c: {  	[sflag:s8] =	ssyncadd.s32 $0xFFFFFF80  }
0x4d: {  	[spmem:s3] =	stream.indirect.scatter.add.f32 [tilespmem:s19], [sflag:$0x2], $0x1, s15, s12, $0xb8;
	[tilespmem:$0x106A0] =	vst v63  }
0x4e: {  	_ =	swait.ge [sflag:s8], $0x80  }
0x4f: {  	[sflag:s8] =	ssyncset.done $0x0  }
0x50: {  	[sflag:s8] =	ssyncadd.s32 $0xFFFFFF80  }
0x51: {  	[spmem:s3] =	stream.indirect.scatter.add.f32 [tilespmem:s19], [sflag:$0x2], $0x1, s17, s12, $0xb8;
	[tilespmem:$0x106A0] =	vst v63  }
0x52: {  	_ =	swait.ge [sflag:s8], $0x80  }
0x53: {  	[sflag:s8] =	ssyncset.done $0x0  }
0x54: {  	s20 =	simm.s32 $0x1;
	[sflag:s8] =	ssyncadd.s32 $0xFFFFFF80  }
0x55: {  	_ =	swait.ge [sflag:s20], $0x4000  }
0x56: {  	[sflag:s20] =	ssyncset.done $0x0  }
0x57: {  	[sflag:s20] =	ssyncadd.s32 $0xFFFFC000  }
0x58: {  	_ =	swait.ge [sflag:s20], $0x4000  }
0x59: {  	[sflag:s20] =	ssyncset.done $0x0  }
0x5a: {  	[sflag:s20] =	ssyncadd.s32 $0xFFFFC000  }
0x5b: {  	_ =	swait.ge [sflag:s20], $0x4000  }
0x5c: {  	[sflag:s20] =	ssyncset.done $0x0  }
0x5d: {  	[sflag:s20] =	ssyncadd.s32 $0xFFFFC000  }
0x5e: {  	s23 =	sshll.u32 s6, $0xE;
	s24 =	sshll.u32 s26, $0xD;
	_ =	swait.ge [sflag:s20], $0x4000  }
0x5f: {  	s23 =	sor.u32 s24, s23;
	[sflag:s20] =	ssyncset.done $0x0  }
0x60: {  	s21 =	sadd.s32 s21, s23;
	[sflag:s20] =	ssyncadd.s32 $0xFFFFC000  }
0x61: {  	[hbm4b:s21+s5] =	stream.linear.scatter [tilespmem:s13], [sflag:$0x2], $0x10000, $0x38;
	[tilespmem:$0x106A0] =	vst v63  }
0x62: {  	_ =	swait.ge [sflag:s8], $0x10000  }
0x63: {  	[sflag:s8] =	ssyncset.done $0x0  }
0x64: {  	s22 =	sadd.s32 $0x2200, s22;
	[sflag:s8] =	ssyncadd.s32 $0xFFFF0000  }
0x65: {  	[tilespmem:s5], [sflag:$0x2] =	stream.linear.gather [hbm4b:s22+s5], $0x200, $0x38;
	[tilespmem:$0x106A0] =	vst v63  }
0x66: {  	_ =	swait.ge [sflag:s8], $0x200  }
0x67: {  	[sflag:s8] =	ssyncset.done $0x0  }
0x68: {  	[sflag:s8] =	ssyncadd.s32 $0xFFFFFE00  }
0x69: {  	[tilespmem:s13], [sflag:$0x1] =	stream.indirect.gather [hbm4b:s2+s12], $0x80, s5, s12, $0xb8;
	[tilespmem:$0x106A0] =	vst v63  }
0x6a: {  	_ = 	snop  }
0x6b: {  	[tilespmem:s14], [sflag:$0x1] =	stream.indirect.gather [hbm4b:s2+s12], $0x80, s12, s12, $0xb8;
	[tilespmem:$0x106A0] =	vst v63  }
0x6c: {  	_ = 	snop  }
0x6d: {  	[tilespmem:s16], [sflag:$0x1] =	stream.indirect.gather [hbm4b:s2+s12], $0x80, s15, s12, $0xb8;
	[tilespmem:$0x106A0] =	vst v63  }
0x6e: {  	_ = 	snop  }
0x6f: {  	[tilespmem:s18], [sflag:$0x1] =	stream.indirect.gather [hbm4b:s2+s12], $0x80, s17, s12, $0xb8;
	[tilespmem:$0x106A0] =	vst v63  }
0x70: {  	_ = 	snop  }
0x71: {  	[spmem:s4] =	stream.indirect.scatter.add.f32 [tilespmem:s19], [sflag:$0x2], $0x1, s5, s12, $0xb8;
	[tilespmem:$0x106A0] =	vst v63  }
0x72: {  	_ =	swait.ge [sflag:s8], $0x80  }
0x73: {  	[sflag:s8] =	ssyncset.done $0x0  }
0x74: {  	[sflag:s8] =	ssyncadd.s32 $0xFFFFFF80  }
0x75: {  	[spmem:s4] =	stream.indirect.scatter.add.f32 [tilespmem:s19], [sflag:$0x2], $0x1, s12, s12, $0xb8;
	[tilespmem:$0x106A0] =	vst v63  }
0x76: {  	_ =	swait.ge [sflag:s8], $0x80  }
0x77: {  	[sflag:s8] =	ssyncset.done $0x0  }
0x78: {  	[sflag:s8] =	ssyncadd.s32 $0xFFFFFF80  }
0x79: {  	[spmem:s4] =	stream.indirect.scatter.add.f32 [tilespmem:s19], [sflag:$0x2], $0x1, s15, s12, $0xb8;
	[tilespmem:$0x106A0] =	vst v63  }
0x7a: {  	_ =	swait.ge [sflag:s8], $0x80  }
0x7b: {  	[sflag:s8] =	ssyncset.done $0x0  }
0x7c: {  	[sflag:s8] =	ssyncadd.s32 $0xFFFFFF80  }
0x7d: {  	[spmem:s4] =	stream.indirect.scatter.add.f32 [tilespmem:s19], [sflag:$0x2], $0x1, s17, s12, $0xb8;
	[tilespmem:$0x106A0] =	vst v63  }
0x7e: {  	_ =	swait.ge [sflag:s8], $0x80  }
0x7f: {  	[sflag:s8] =	ssyncset.done $0x0  }
0x80: {  	[sflag:s8] =	ssyncadd.s32 $0xFFFFFF80  }
0x81: {  	_ =	swait.ge [sflag:s20], $0x4000  }
0x82: {  	[sflag:s20] =	ssyncset.done $0x0  }
0x83: {  	[sflag:s20] =	ssyncadd.s32 $0xFFFFC000  }
0x84: {  	_ =	swait.ge [sflag:s20], $0x4000  }
0x85: {  	[sflag:s20] =	ssyncset.done $0x0  }
0x86: {  	[sflag:s20] =	ssyncadd.s32 $0xFFFFC000  }
0x87: {  	_ =	swait.ge [sflag:s20], $0x4000  }
0x88: {  	[sflag:s20] =	ssyncset.done $0x0  }
0x89: {  	[sflag:s20] =	ssyncadd.s32 $0xFFFFC000  }
0x8a: {  	_ =	swait.ge [sflag:s20], $0x4000  }
0x8b: {  	s23 =	sadd.s32 s23, s25;
	[sflag:s20] =	ssyncset.done $0x0  }
0x8c: {  	s23 =	sadd.s32 $0x2A00, s23;
	[sflag:s20] =	ssyncadd.s32 $0xFFFFC000  }
0x8d: {  	[hbm4b:s23+s5] =	stream.linear.scatter [tilespmem:s13], [sflag:$0x2], $0x10000, $0x38;
	[tilespmem:$0x106A0] =	vst v63  }
0x8e: {  	_ =	swait.ge [sflag:s8], $0x10000  }
0x8f: {  	[sflag:s8] =	ssyncset.done $0x0  }
0x90: {  	s30 =	sshll.u32 s6, $0xA;
	s29 =	sshll.u32 s26, $0x7;
	[sflag:s8] =	ssyncadd.s32 $0xFFFF0000  }
0x91: {  	s24 =	sor.u32 s29, s30;
	[bflag:$0x0] =	sbarrier.arrive $0xFFFF  }
0x92: {  	[tilespmem:s9], [sflag:$0x2] =	stream.linear.gather [spmem:s7], $0x200, $0x38;
	[tilespmem:$0x106A0] =	vst v63  }
0x93: {  	s28 =	sand.u32 $0x60, s28;
	s24 =	sshrl.u32 s24, $0x3;
	_ =	swait.ge [sflag:s8], $0x200  }
0x94: {  	s26 =	ssub.s32 $0x2, s26;
	s24 =	sadd.s32 s24, s25;
	[sflag:s8] =	ssyncset.done $0x0  }
0x95: {  	s30 =	sshll.u32 s6, $0x6;
	s24 =	sadd.s32 $0x42A00, s24;
	[sflag:s8] =	ssyncadd.s32 $0xFFFFFE00  }
0x96: {  	[hbm4b:s24+s12] =	stream.strided.scatter [tilespmem:s9], [sflag:$0x2], $0x200, s15, s12, $0x38;
	[tilespmem:$0x106A0] =	vst v63  }
0x97: {  	s31 =	sshrl.u32 s26, $0x1;
	s30 =	sand.u32 $0x300, s30;
	_ =	swait.ge [sflag:s8], $0x200  }
0x98: {  	s26 =	ssub.s32 s26, s31;
	s28 =	sor.u32 s30, s28;
	[sflag:s8] =	ssyncset.done $0x0  }
0x99: {  	s26 =	smax.u32 s26, $0x1;
	s28 =	sor.u32 s29, s28;
	[sflag:s8] =	ssyncadd.s32 $0xFFFFFE00  }
0x9a: {  	[tilespmem:s9], [sflag:$0x2] =	stream.linear.gather [spmem:s10], $0x20, $0x38;
	[tilespmem:$0x106A0] =	vst v63  }
0x9b: {  	p0 =	sne.s32 s26, $0x1;
	s28 =	sshrl.u32 s28, $0x3;
	_ =	swait.ge [sflag:s8], $0x20  }
.Ltmp0:
0x9c: {  	s25 =	sadd.s32 s28, s25;
	[sflag:s8] =	ssyncset.done $0x0;
	(pc) =	sbr.rel @!p0 .LBB2_2-.Ltmp0, $4  }
0x9d: {  	s25 =	sadd.s32 $0x43200, s25;
	[sflag:s8] =	ssyncadd.s32 $0xFFFFFFE0  }
0x9e: {  	[hbm4b:s25+s5] =	stream.linear.scatter [tilespmem:s9], [sflag:$0x2], $0x20, $0x38;
	[tilespmem:$0x106A0] =	vst v63  }
0x9f: {  	_ =	swait.ge [sflag:s8], $0x20  }
0xa0: {  	s26 =	sadd.s32 $0xFFFFFFFF, s26;
	[sflag:s8] =	ssyncset.done $0x0  }
.LBB2_1:
0xa1: {  	p0 =	sne.s32 s26, $0x1;
	s26 =	sadd.s32 $0xFFFFFFFF, s26;
	[sflag:s8] =	ssyncadd.s32 $0xFFFFFFE0  }
0xa2: {  	[tilespmem:$0x10220] =	vst v0  }
0xa3: {  	[tilespmem:$0x10230] =	vst v0  }
0xa4: {  	[tilespmem:$0x10240] =	vst v0  }
0xa5: {  	[tilespmem:$0x10250] =	vst v0  }
0xa6: {  	[tilespmem:$0x10260] =	vst v0  }
0xa7: {  	[tilespmem:$0x10270] =	vst v0  }
0xa8: {  	[tilespmem:$0x10280] =	vst v1  }
0xa9: {  	[tilespmem:$0x10290] =	vst v1  }
0xaa: {  	[tilespmem:$0x102A0] =	vst v1  }
0xab: {  	[tilespmem:$0x102B0] =	vst v1  }
0xac: {  	[tilespmem:$0x102C0] =	vst v1  }
0xad: {  	[tilespmem:$0x102D0] =	vst v1  }
0xae: {  	[tilespmem:$0x102E0] =	vst v1  }
0xaf: {  	[tilespmem:$0x102F0] =	vst v1  }
0xb0: {  	[tilespmem:$0x10300] =	vst v1  }
0xb1: {  	[tilespmem:$0x10310] =	vst v1  }
0xb2: {  	[tilespmem:$0x10320] =	vst v1  }
0xb3: {  	[tilespmem:$0x10330] =	vst v1  }
0xb4: {  	[tilespmem:$0x10200] =	vst v0  }
0xb5: {  	[tilespmem:$0x10470] =	vst v1  }
0xb6: {  	[tilespmem:$0x10460] =	vst v1  }
0xb7: {  	[tilespmem:$0x10450] =	vst v1  }
0xb8: {  	[tilespmem:$0x10440] =	vst v1  }
0xb9: {  	[tilespmem:$0x10430] =	vst v1  }
0xba: {  	[tilespmem:$0x10420] =	vst v1  }
0xbb: {  	[tilespmem:$0x10410] =	vst v1  }
0xbc: {  	[tilespmem:$0x10400] =	vst v1  }
0xbd: {  	[tilespmem:$0x103F0] =	vst v1  }
0xbe: {  	[tilespmem:$0x103E0] =	vst v1  }
0xbf: {  	[tilespmem:$0x103D0] =	vst v1  }
0xc0: {  	[tilespmem:$0x103C0] =	vst v1  }
0xc1: {  	[tilespmem:$0x103B0] =	vst v1  }
0xc2: {  	[tilespmem:$0x103A0] =	vst v1  }
0xc3: {  	[tilespmem:$0x10390] =	vst v1  }
0xc4: {  	[tilespmem:$0x10380] =	vst v1  }
0xc5: {  	[tilespmem:$0x10370] =	vst v1  }
0xc6: {  	[tilespmem:$0x10360] =	vst v1  }
0xc7: {  	[tilespmem:$0x10350] =	vst v1  }
0xc8: {  	[tilespmem:$0x10340] =	vst v1  }
0xc9: {  	[tilespmem:$0x10210] =	vst v0  }
0xca: {  	[spmem:s7] =	stream.linear.scatter [tilespmem:s9], [sflag:$0x2], $0x200, $0x38;
	[tilespmem:$0x106A0] =	vst v63  }
0xcb: {  	_ =	swait.ge [sflag:s8], $0x200  }
0xcc: {  	[sflag:s8] =	ssyncset.done $0x0  }
0xcd: {  	[sflag:s8] =	ssyncadd.s32 $0xFFFFFE00  }
0xce: {  	[spmem:s10] =	stream.linear.scatter [tilespmem:s9], [sflag:$0x2], $0x20, $0x38;
	[tilespmem:$0x106A0] =	vst v63  }
0xcf: {  	_ =	swait.ge [sflag:s8], $0x20  }
0xd0: {  	[sflag:s8] =	ssyncset.done $0x0  }
0xd1: {  	[sflag:s8] =	ssyncadd.s32 $0xFFFFFFE0  }
0xd2: {  	[bflag:$0x0] =	sbarrier.arrive $0xFFFF  }
0xd3: {  	[tilespmem:s5], [sflag:$0x2] =	stream.linear.gather [hbm4b:s11+s5], $0x200, $0x38;
	[tilespmem:$0x106A0] =	vst v63  }
0xd4: {  	_ =	swait.ge [sflag:s8], $0x200  }
0xd5: {  	[sflag:s8] =	ssyncset.done $0x0  }
0xd6: {  	[sflag:s8] =	ssyncadd.s32 $0xFFFFFE00  }
0xd7: {  	[tilespmem:s13], [sflag:$0x1] =	stream.indirect.gather [hbm4b:s1+s12], $0x80, s5, s12, $0xb8;
	[tilespmem:$0x106A0] =	vst v63  }
0xd8: {  	_ = 	snop  }
0xd9: {  	[tilespmem:s14], [sflag:$0x1] =	stream.indirect.gather [hbm4b:s1+s12], $0x80, s12, s12, $0xb8;
	[tilespmem:$0x106A0] =	vst v63  }
0xda: {  	_ = 	snop  }
0xdb: {  	[tilespmem:s16], [sflag:$0x1] =	stream.indirect.gather [hbm4b:s1+s12], $0x80, s15, s12, $0xb8;
	[tilespmem:$0x106A0] =	vst v63  }
0xdc: {  	_ = 	snop  }
0xdd: {  	[tilespmem:s18], [sflag:$0x1] =	stream.indirect.gather [hbm4b:s1+s12], $0x80, s17, s12, $0xb8;
	[tilespmem:$0x106A0] =	vst v63  }
0xde: {  	_ = 	snop  }
0xdf: {  	[spmem:s3] =	stream.indirect.scatter.add.f32 [tilespmem:s19], [sflag:$0x2], $0x1, s5, s12, $0xb8;
	[tilespmem:$0x106A0] =	vst v63  }
0xe0: {  	_ =	swait.ge [sflag:s8], $0x80  }
0xe1: {  	[sflag:s8] =	ssyncset.done $0x0  }
0xe2: {  	[sflag:s8] =	ssyncadd.s32 $0xFFFFFF80  }
0xe3: {  	[spmem:s3] =	stream.indirect.scatter.add.f32 [tilespmem:s19], [sflag:$0x2], $0x1, s12, s12, $0xb8;
	[tilespmem:$0x106A0] =	vst v63  }
0xe4: {  	_ =	swait.ge [sflag:s8], $0x80  }
0xe5: {  	[sflag:s8] =	ssyncset.done $0x0  }
0xe6: {  	[sflag:s8] =	ssyncadd.s32 $0xFFFFFF80  }
0xe7: {  	[spmem:s3] =	stream.indirect.scatter.add.f32 [tilespmem:s19], [sflag:$0x2], $0x1, s15, s12, $0xb8;
	[tilespmem:$0x106A0] =	vst v63  }
0xe8: {  	_ =	swait.ge [sflag:s8], $0x80  }
0xe9: {  	[sflag:s8] =	ssyncset.done $0x0  }
0xea: {  	[sflag:s8] =	ssyncadd.s32 $0xFFFFFF80  }
0xeb: {  	[spmem:s3] =	stream.indirect.scatter.add.f32 [tilespmem:s19], [sflag:$0x2], $0x1, s17, s12, $0xb8;
	[tilespmem:$0x106A0] =	vst v63  }
0xec: {  	_ =	swait.ge [sflag:s8], $0x80  }
0xed: {  	[sflag:s8] =	ssyncset.done $0x0  }
0xee: {  	[sflag:s8] =	ssyncadd.s32 $0xFFFFFF80  }
0xef: {  	_ =	swait.ge [sflag:s20], $0x4000  }
0xf0: {  	[sflag:s20] =	ssyncset.done $0x0  }
0xf1: {  	[sflag:s20] =	ssyncadd.s32 $0xFFFFC000  }
0xf2: {  	_ =	swait.ge [sflag:s20], $0x4000  }
0xf3: {  	[sflag:s20] =	ssyncset.done $0x0  }
0xf4: {  	[sflag:s20] =	ssyncadd.s32 $0xFFFFC000  }
0xf5: {  	_ =	swait.ge [sflag:s20], $0x4000  }
0xf6: {  	[sflag:s20] =	ssyncset.done $0x0  }
0xf7: {  	[sflag:s20] =	ssyncadd.s32 $0xFFFFC000  }
0xf8: {  	_ =	swait.ge [sflag:s20], $0x4000  }
0xf9: {  	[sflag:s20] =	ssyncset.done $0x0  }
0xfa: {  	[sflag:s20] =	ssyncadd.s32 $0xFFFFC000  }
0xfb: {  	[hbm4b:s21+s5] =	stream.linear.scatter [tilespmem:s13], [sflag:$0x2], $0x10000, $0x38;
	[tilespmem:$0x106A0] =	vst v63  }
0xfc: {  	_ =	swait.ge [sflag:s8], $0x10000  }
0xfd: {  	[sflag:s8] =	ssyncset.done $0x0  }
0xfe: {  	[sflag:s8] =	ssyncadd.s32 $0xFFFF0000  }
0xff: {  	[tilespmem:s5], [sflag:$0x2] =	stream.linear.gather [hbm4b:s22+s5], $0x200, $0x38;
	[tilespmem:$0x106A0] =	vst v63  }
0x100: {  	_ =	swait.ge [sflag:s8], $0x200  }
0x101: {  	[sflag:s8] =	ssyncset.done $0x0  }
0x102: {  	[sflag:s8] =	ssyncadd.s32 $0xFFFFFE00  }
0x103: {  	[tilespmem:s13], [sflag:$0x1] =	stream.indirect.gather [hbm4b:s2+s12], $0x80, s5, s12, $0xb8;
	[tilespmem:$0x106A0] =	vst v63  }
0x104: {  	_ = 	snop  }
0x105: {  	[tilespmem:s14], [sflag:$0x1] =	stream.indirect.gather [hbm4b:s2+s12], $0x80, s12, s12, $0xb8;
	[tilespmem:$0x106A0] =	vst v63  }
0x106: {  	_ = 	snop  }
0x107: {  	[tilespmem:s16], [sflag:$0x1] =	stream.indirect.gather [hbm4b:s2+s12], $0x80, s15, s12, $0xb8;
	[tilespmem:$0x106A0] =	vst v63  }
0x108: {  	_ = 	snop  }
0x109: {  	[tilespmem:s18], [sflag:$0x1] =	stream.indirect.gather [hbm4b:s2+s12], $0x80, s17, s12, $0xb8;
	[tilespmem:$0x106A0] =	vst v63  }
0x10a: {  	_ = 	snop  }
0x10b: {  	[spmem:s4] =	stream.indirect.scatter.add.f32 [tilespmem:s19], [sflag:$0x2], $0x1, s5, s12, $0xb8;
	[tilespmem:$0x106A0] =	vst v63  }
0x10c: {  	_ =	swait.ge [sflag:s8], $0x80  }
0x10d: {  	[sflag:s8] =	ssyncset.done $0x0  }
0x10e: {  	[sflag:s8] =	ssyncadd.s32 $0xFFFFFF80  }
0x10f: {  	[spmem:s4] =	stream.indirect.scatter.add.f32 [tilespmem:s19], [sflag:$0x2], $0x1, s12, s12, $0xb8;
	[tilespmem:$0x106A0] =	vst v63  }
0x110: {  	_ =	swait.ge [sflag:s8], $0x80  }
0x111: {  	[sflag:s8] =	ssyncset.done $0x0  }
0x112: {  	[sflag:s8] =	ssyncadd.s32 $0xFFFFFF80  }
0x113: {  	[spmem:s4] =	stream.indirect.scatter.add.f32 [tilespmem:s19], [sflag:$0x2], $0x1, s15, s12, $0xb8;
	[tilespmem:$0x106A0] =	vst v63  }
0x114: {  	_ =	swait.ge [sflag:s8], $0x80  }
0x115: {  	[sflag:s8] =	ssyncset.done $0x0  }
0x116: {  	[sflag:s8] =	ssyncadd.s32 $0xFFFFFF80  }
0x117: {  	[spmem:s4] =	stream.indirect.scatter.add.f32 [tilespmem:s19], [sflag:$0x2], $0x1, s17, s12, $0xb8;
	[tilespmem:$0x106A0] =	vst v63  }
0x118: {  	_ =	swait.ge [sflag:s8], $0x80  }
0x119: {  	[sflag:s8] =	ssyncset.done $0x0  }
0x11a: {  	[sflag:s8] =	ssyncadd.s32 $0xFFFFFF80  }
0x11b: {  	_ =	swait.ge [sflag:s20], $0x4000  }
0x11c: {  	[sflag:s20] =	ssyncset.done $0x0  }
0x11d: {  	[sflag:s20] =	ssyncadd.s32 $0xFFFFC000  }
0x11e: {  	_ =	swait.ge [sflag:s20], $0x4000  }
0x11f: {  	[sflag:s20] =	ssyncset.done $0x0  }
0x120: {  	[sflag:s20] =	ssyncadd.s32 $0xFFFFC000  }
0x121: {  	_ =	swait.ge [sflag:s20], $0x4000  }
0x122: {  	[sflag:s20] =	ssyncset.done $0x0  }
0x123: {  	[sflag:s20] =	ssyncadd.s32 $0xFFFFC000  }
0x124: {  	_ =	swait.ge [sflag:s20], $0x4000  }
0x125: {  	[sflag:s20] =	ssyncset.done $0x0  }
0x126: {  	[sflag:s20] =	ssyncadd.s32 $0xFFFFC000  }
0x127: {  	[hbm4b:s23+s5] =	stream.linear.scatter [tilespmem:s13], [sflag:$0x2], $0x10000, $0x38;
	[tilespmem:$0x106A0] =	vst v63  }
0x128: {  	_ =	swait.ge [sflag:s8], $0x10000  }
0x129: {  	[sflag:s8] =	ssyncset.done $0x0  }
0x12a: {  	[sflag:s8] =	ssyncadd.s32 $0xFFFF0000  }
0x12b: {  	[bflag:$0x0] =	sbarrier.arrive $0xFFFF  }
0x12c: {  	[tilespmem:s9], [sflag:$0x2] =	stream.linear.gather [spmem:s7], $0x200, $0x38;
	[tilespmem:$0x106A0] =	vst v63  }
0x12d: {  	_ =	swait.ge [sflag:s8], $0x200  }
0x12e: {  	[sflag:s8] =	ssyncset.done $0x0  }
0x12f: {  	[sflag:s8] =	ssyncadd.s32 $0xFFFFFE00  }
0x130: {  	[hbm4b:s24+s12] =	stream.strided.scatter [tilespmem:s9], [sflag:$0x2], $0x200, s15, s12, $0x38;
	[tilespmem:$0x106A0] =	vst v63  }
0x131: {  	_ =	swait.ge [sflag:s8], $0x200  }
0x132: {  	[sflag:s8] =	ssyncset.done $0x0  }
0x133: {  	[sflag:s8] =	ssyncadd.s32 $0xFFFFFE00  }
0x134: {  	[tilespmem:s9], [sflag:$0x2] =	stream.linear.gather [spmem:s10], $0x20, $0x38;
	[tilespmem:$0x106A0] =	vst v63  }
0x135: {  	_ =	swait.ge [sflag:s8], $0x20  }
.Ltmp1:
0x136: {  	[sflag:s8] =	ssyncset.done $0x0;
	(pc) =	sbr.rel @p0 .LBB2_1-.Ltmp1, $4  }
0x137: {  	[sflag:s8] =	ssyncadd.s32 $0xFFFFFFE0  }
0x138: {  	[hbm4b:s25+s5] =	stream.linear.scatter [tilespmem:s9], [sflag:$0x2], $0x20, $0x38;
	[tilespmem:$0x106A0] =	vst v63  }
0x139: {  	_ =	swait.ge [sflag:s8], $0x20  }
0x13a: {  	[sflag:s8] =	ssyncset.done $0x0  }
.LBB2_2:
0x13b: {  	[sflag:s8] =	ssyncadd.s32 $0xFFFFFFE0  }
0x13c: {  	_ =	sfence.sel $0x180000  }
0x13d: {  	[bflag:$0x0] =	sbarrier.arrive $0xFFFF  }
0x13e: {  	p0 =	sne.s32 s6, $0x0;
	_ =	strace $0x90000047  }
0x13f: {  	s0 =	sadd.s32 @!p0 $0x100000, s0;
	[bflag:$0x2] =	sbarrier.arrive $0xFFFF  }
0x140: {  	[sflag:s0] =	ssyncadd.tile.s32 @!p0 $0x1;
	_ =	shalt  }
.Lfunc_end2:
_tile_overlayer_lowered:
.L_overlay_start_2:
0x141: {  	(tag) =	ssettag $0x2  }
0x142: {  	s0 =	rddreg [dreg:$0x0];
	s2 =	stileid.u32  }
0x143: {  	s1 =	rddreg [dreg:$0x1];
	p0 =	sne.s32 s2, $0x0  }
0x144: {  	s3 =	rddreg [dreg:$0x2];
	[bflag:$0x3] =	sbarrier.arrive $0xFFFF;
	s2 =	simm.s32 @!p0 $0x1C02  }
0x145: {  	[timem:s3], [sflag:s2] =	dma.local @!p0 [hbm:s0], s1  }
0x146: {  	s0 =	simm.s32 @!p0 $0x2  }
0x147: {  	_ =	swait.ge @!p0 [sflag:s0], s1  }
0x148: {  	s1 =	ssub.s32 @!p0 $0x0, s1;
	[sflag:s0] =	ssyncset.done @!p0 $0x0  }
0x149: {  	[sflag:s0] =	ssyncadd.s32 @!p0 s1  }
0x14a: {  	[bflag:$0x3] =	sbarrier.arrive $0xFFFF  }
0x14b: {  	_ =	shalt  }

</sc_bundles>
